<compile_context>
chip_gen: v7x
topology: tpu7x:2x2x1
jax: 0.10.2.dev20260603
libtpu: 0.0.44.dev20260713+nightly
codegen_flags: <defaults>
</compile_context>

<pallas_src>
import jax
import jax.numpy as jnp
from jax import lax
from jax.experimental import pallas as pl
from jax.experimental.pallas import tpu as pltpu
from jax.experimental.pallas import tpu_sc as plsc

_N = 10000
_E = 320000
_D = 128
_NC = 2
_NS = 16
_CH = 80
_EPT = _E // _NS
_NCHUNK = _EPT // _CH
_NP = 10240
_RPT = _NP // _NS
_QZ = _RPT // _CH

_MESH = plsc.VectorSubcoreMesh(core_axis_name="c", subcore_axis_name="s",
                               num_cores=_NC, num_subcores=_NS)


def _zero_acc(zsrc_ref, buf, acc, r0):
    pltpu.sync_copy(zsrc_ref, buf)

    def _z(q, carry):
        pltpu.sync_copy(buf, acc.at[pl.ds(r0 + q * _CH, _CH)])
        return carry
    lax.fori_loop(0, _QZ, _z, 0)


def _drain_acc(acc, buf, out_ref, r0):
    def _d(q, carry):
        pltpu.sync_copy(acc.at[pl.ds(r0 + q * _CH, _CH)], buf)
        pltpu.sync_copy(buf, out_ref.at[pl.ds(r0 + q * _CH, _CH)])
        return carry
    lax.fori_loop(0, _QZ, _d, 0)


def _ea_body(ei_ref, ea_ref, znd_ref, bd_ref, bs_ref, acc,
             eab0, eab1, id0, id1, se0, se1):
    c = lax.axis_index("c")
    s = lax.axis_index("s")
    r0 = s * _RPT
    ebase = s * _EPT
    _zero_acc(znd_ref, eab0, acc, r0)
    plsc.subcore_barrier()

    key_off = (1 - c) * _E
    bufs = ((eab0, id0, se0), (eab1, id1, se1))

    def _issue(kk, eab, idb, se):
        e0 = ebase + kk * _CH
        pltpu.async_copy(ei_ref.at[pl.ds(key_off + e0, _CH)], idb, se)
        pltpu.async_copy(ea_ref.at[pl.ds(e0, _CH)], eab, se)

    _issue(0, eab0, id0, se0)
    _issue(1, eab1, id1, se1)

    def _loop(k, carry):
        for b in (0, 1):
            eab, idb, se = bufs[b]
            kk = 2 * k + b
            pltpu.make_async_copy(ei_ref.at[pl.ds(0, _CH)], idb, se).wait()
            pltpu.make_async_copy(ea_ref.at[pl.ds(0, _CH)], eab, se).wait()
            pltpu.sync_copy(eab, acc.at[idb], add=True)

            @pl.when(kk + 2 < _NCHUNK)
            def _():
                _issue(kk + 2, eab, idb, se)
        return carry
    lax.fori_loop(0, _NCHUNK // 2, _loop, 0)
    plsc.subcore_barrier()

    @pl.when(c == 0)
    def _():
        _drain_acc(acc, eab0, bd_ref, r0)

    @pl.when(c == 1)
    def _():
        _drain_acc(acc, eab0, bs_ref, r0)


def _x_body(ei_ref, x_ref, znd_ref, as_ref, at_ref, acc,
            xb0, xb1, idi0, idi1, idj0, idj1, si0, si1, sg0, sg1):
    c = lax.axis_index("c")
    s = lax.axis_index("s")
    r0 = s * _RPT
    ebase = s * _EPT
    _zero_acc(znd_ref, xb0, acc, r0)
    plsc.subcore_barrier()

    g_off = c * _E
    s_off = (1 - c) * _E
    bufs = ((xb0, idi0, idj0, si0, sg0), (xb1, idi1, idj1, si1, sg1))

    def _issue_idx(kk, idjb, idib, si):
        e0 = ebase + kk * _CH
        pltpu.async_copy(ei_ref.at[pl.ds(g_off + e0, _CH)], idjb, si)
        pltpu.async_copy(ei_ref.at[pl.ds(s_off + e0, _CH)], idib, si)

    def _wait_idx(idjb, idib, si):
        pltpu.make_async_copy(ei_ref.at[pl.ds(0, _CH)], idjb, si).wait()
        pltpu.make_async_copy(ei_ref.at[pl.ds(0, _CH)], idib, si).wait()

    _issue_idx(0, idj0, idi0, si0)
    _issue_idx(1, idj1, idi1, si1)
    _wait_idx(idj0, idi0, si0)
    pltpu.async_copy(x_ref.at[idj0], xb0, sg0)

    def _loop(k, carry):
        for b in (0, 1):
            xb, idib, idjb, si, sg = bufs[b]
            xbo, idibo, idjbo, sio, sgo = bufs[1 - b]
            kk = 2 * k + b
            pltpu.make_async_copy(x_ref.at[idjb], xb, sg).wait()
            pltpu.sync_copy(xb, acc.at[idib], add=True)

            @pl.when(kk + 2 < _NCHUNK)
            def _():
                _issue_idx(kk + 2, idjb, idib, si)

            @pl.when(kk + 1 < _NCHUNK)
            def _():
                _wait_idx(idjbo, idibo, sio)
                pltpu.async_copy(x_ref.at[idjbo], xbo, sgo)
        return carry
    lax.fori_loop(0, _NCHUNK // 2, _loop, 0)
    plsc.subcore_barrier()

    @pl.when(c == 0)
    def _():
        _drain_acc(acc, xb0, as_ref, r0)

    @pl.when(c == 1)
    def _():
        _drain_acc(acc, xb0, at_ref, r0)


def _cnt_body(ei_ref, ones_ref, zn16_ref, cd_ref, cs_ref, cnt, oneb, zbuf,
              id0, id1, sc0, sc1):
    c = lax.axis_index("c")
    s = lax.axis_index("s")
    r0 = s * _RPT
    ebase = s * _EPT
    _zero_acc(zn16_ref, zbuf, cnt, r0)
    pltpu.sync_copy(ones_ref, oneb)
    plsc.subcore_barrier()

    key_off = (1 - c) * _E
    bufs = ((id0, sc0), (id1, sc1))

    def _issue(kk, idb, sc):
        pltpu.async_copy(ei_ref.at[pl.ds(key_off + ebase + kk * _CH, _CH)], idb, sc)

    _issue(0, id0, sc0)
    _issue(1, id1, sc1)

    def _loop(k, carry):
        for b in (0, 1):
            idb, sc = bufs[b]
            kk = 2 * k + b
            pltpu.make_async_copy(ei_ref.at[pl.ds(0, _CH)], idb, sc).wait()
            pltpu.sync_copy(oneb, cnt.at[idb], add=True)

            @pl.when(kk + 2 < _NCHUNK)
            def _():
                _issue(kk + 2, idb, sc)
        return carry
    lax.fori_loop(0, _NCHUNK // 2, _loop, 0)
    plsc.subcore_barrier()

    @pl.when(c == 0)
    def _():
        _drain_acc(cnt, zbuf, cd_ref, r0)

    @pl.when(c == 1)
    def _():
        _drain_acc(cnt, zbuf, cs_ref, r0)


_sc_ea = pl.kernel(
    _ea_body,
    out_type=(
        jax.ShapeDtypeStruct((_NP, _D), jnp.float32),
        jax.ShapeDtypeStruct((_NP, _D), jnp.float32),
    ),
    mesh=_MESH,
    scratch_types=(
        pltpu.VMEM_SHARED((_NP, _D), jnp.float32),
        pltpu.VMEM((_CH, _D), jnp.float32),
        pltpu.VMEM((_CH, _D), jnp.float32),
        pltpu.VMEM((_CH,), jnp.int32),
        pltpu.VMEM((_CH,), jnp.int32),
        pltpu.SemaphoreType.DMA,
        pltpu.SemaphoreType.DMA,
    ),
)

_sc_x = pl.kernel(
    _x_body,
    out_type=(
        jax.ShapeDtypeStruct((_NP, _D), jnp.float32),
        jax.ShapeDtypeStruct((_NP, _D), jnp.float32),
    ),
    mesh=_MESH,
    scratch_types=(
        pltpu.VMEM_SHARED((_NP, _D), jnp.float32),
        pltpu.VMEM((_CH, _D), jnp.float32),
        pltpu.VMEM((_CH, _D), jnp.float32),
        pltpu.VMEM((_CH,), jnp.int32),
        pltpu.VMEM((_CH,), jnp.int32),
        pltpu.VMEM((_CH,), jnp.int32),
        pltpu.VMEM((_CH,), jnp.int32),
        pltpu.SemaphoreType.DMA,
        pltpu.SemaphoreType.DMA,
        pltpu.SemaphoreType.DMA,
        pltpu.SemaphoreType.DMA,
    ),
)

_sc_cnt = pl.kernel(
    _cnt_body,
    out_type=(
        jax.ShapeDtypeStruct((_NP, _D), jnp.float32),
        jax.ShapeDtypeStruct((_NP, _D), jnp.float32),
    ),
    mesh=_MESH,
    scratch_types=(
        pltpu.VMEM_SHARED((_NP, _D), jnp.float32),
        pltpu.VMEM((_CH, _D), jnp.float32),
        pltpu.VMEM((_CH, _D), jnp.float32),
        pltpu.VMEM((_CH,), jnp.int32),
        pltpu.VMEM((_CH,), jnp.int32),
        pltpu.SemaphoreType.DMA,
        pltpu.SemaphoreType.DMA,
    ),
)


def _tc_combine_body(x_ref, as_ref, at_ref, bd_ref, bs_ref, cd_ref, cs_ref,
                     w_ref, b_ref, o_ref):
    f32 = jnp.float32
    x = x_ref[...]
    o = jnp.dot(as_ref[...], w_ref[0], preferred_element_type=f32)
    o += jnp.dot(at_ref[...], w_ref[1], preferred_element_type=f32)
    o += jnp.dot(bd_ref[...], w_ref[2], preferred_element_type=f32)
    o += jnp.dot(bs_ref[...], w_ref[3], preferred_element_type=f32)
    xqs = jnp.dot(x, w_ref[4], preferred_element_type=f32) + b_ref[0]
    xqt = jnp.dot(x, w_ref[5], preferred_element_type=f32) + b_ref[1]
    o += cd_ref[:, 0:1] * xqs + cs_ref[:, 0:1] * xqt
    o += jnp.dot(x, w_ref[6], preferred_element_type=f32)
    o_ref[...] = o


def _tc_combine(x, As, At, Bd, Bs, cd, cs, Wstack, bstack):
    blk = 2000
    grid = _N // blk
    row = lambda i: (i, 0)
    return pl.pallas_call(
        _tc_combine_body,
        grid=(grid,),
        in_specs=[
            pl.BlockSpec((blk, _D), row),
            pl.BlockSpec((blk, _D), row),
            pl.BlockSpec((blk, _D), row),
            pl.BlockSpec((blk, _D), row),
            pl.BlockSpec((blk, _D), row),
            pl.BlockSpec((blk, _D), row),
            pl.BlockSpec((blk, _D), row),
            pl.BlockSpec((7, _D, _D), lambda i: (0, 0, 0)),
            pl.BlockSpec((2, _D), lambda i: (0, 0)),
        ],
        out_specs=pl.BlockSpec((blk, _D), row),
        out_shape=jax.ShapeDtypeStruct((_N, _D), jnp.float32),
    )(x, As, At, Bd, Bs, cd, cs, Wstack, bstack)


def kernel(x, edge_index, edge_attr, multimodal_features,
           Wn_s2t, We_s2t, Wm_s2t, bm_s2t,
           Wn_t2s, We_t2s, Wm_t2s, bm_t2s):
    D = x.shape[1]
    ei = edge_index.reshape(2 * _E)
    znd = jnp.zeros((_CH, _D), jnp.float32)
    ones128 = jnp.ones((_CH, _D), jnp.float32)

    Bd, Bs = _sc_ea(ei, edge_attr, znd)
    As, At = _sc_x(ei, x, znd)
    cd, cs = _sc_cnt(ei, ones128, znd)

    def mats(Wn, We, Wm):
        W1, W2, W3 = Wm[:, :D], Wm[:, D:2 * D], Wm[:, 2 * D:]
        return Wn.T @ W1.T, Wn.T @ W2.T, We.T @ W3.T

    Ps, Qs, Rs = mats(Wn_s2t, We_s2t, Wm_s2t)
    Pt, Qt, Rt = mats(Wn_t2s, We_t2s, Wm_t2s)
    Wstack = 0.5 * jnp.stack([Ps, Pt, Rs, Rt, Qs, Qt, (Wn_s2t + Wn_t2s).T])
    bstack = 0.5 * jnp.stack([bm_s2t, bm_t2s])

    node_out = _tc_combine(x, As, At, Bd, Bs, cd, cs, Wstack, bstack)
    return (node_out, edge_attr)

# --- scband reference (transcript-rebuilt; emitter-appended) ---
"""Pipeline reference for scband-graph-layer-v3-36215164240829 (READ-ONLY COPY).

The authoritative reference and input builder live on the scoring server;
editing this copy changes nothing except your own understanding.
"""

import jax, jax.numpy as jnp
import numpy as np

N = 10000
E = 320000
D = 128


def setup_inputs(seed: int = 0) -> dict:
    key = jax.random.key(seed)
    ks = jax.random.split(key, 16)
    x = jax.random.normal(ks[0], (N, D), dtype=jnp.float32)
    edge_index = jax.random.randint(ks[1], (2, E), 0, N, dtype=jnp.int32)
    edge_attr = jax.random.normal(ks[2], (E, D), dtype=jnp.float32)
    multimodal_features = jnp.zeros((1, D), dtype=jnp.float32)
    s = 1.0 / np.sqrt(D)
    s3 = 1.0 / np.sqrt(3 * D)
    # source_to_target conv params
    Wn_s2t = jax.random.normal(ks[3], (D, D), dtype=jnp.float32) * s
    We_s2t = jax.random.normal(ks[4], (D, D), dtype=jnp.float32) * s
    Wm_s2t = jax.random.normal(ks[5], (D, 3 * D), dtype=jnp.float32) * s3
    bm_s2t = jnp.zeros((D,), dtype=jnp.float32)
    # target_to_source conv params
    Wn_t2s = jax.random.normal(ks[6], (D, D), dtype=jnp.float32) * s
    We_t2s = jax.random.normal(ks[7], (D, D), dtype=jnp.float32) * s
    Wm_t2s = jax.random.normal(ks[8], (D, 3 * D), dtype=jnp.float32) * s3
    bm_t2s = jnp.zeros((D,), dtype=jnp.float32)
    return {
        "x": x,
        "edge_index": edge_index,
        "edge_attr": edge_attr,
        "multimodal_features": multimodal_features,
        "Wn_s2t": Wn_s2t, "We_s2t": We_s2t, "Wm_s2t": Wm_s2t, "bm_s2t": bm_s2t,
        "Wn_t2s": Wn_t2s, "We_t2s": We_t2s, "Wm_t2s": Wm_t2s, "bm_t2s": bm_t2s,
    }


def _graph_layer_v1(x, edge_index, edge_attr, Wn, We, Wm, bm, flow):
    # node_linear / edge_linear (no bias)
    x2 = x @ Wn.T
    ea2 = edge_attr @ We.T
    if flow == "source_to_target":
        j = edge_index[0]  # sender
        i = edge_index[1]  # receiver / aggregation index
    else:  # target_to_source
        j = edge_index[1]
        i = edge_index[0]
    x_j = jnp.take(x2, j, axis=0)
    x_i = jnp.take(x2, i, axis=0)
    message = jnp.concatenate([x_j, x_i, ea2], axis=-1) @ Wm.T + bm
    # aggr='add' -> scatter-add at receiver nodes
    out = jax.ops.segment_sum(message, i, num_segments=x.shape[0])
    return out + x2


def reference(x, edge_index, edge_attr, multimodal_features,
              Wn_s2t, We_s2t, Wm_s2t, bm_s2t,
              Wn_t2s, We_t2s, Wm_t2s, bm_t2s):
    tgt2src = _graph_layer_v1(x, edge_index, edge_attr, Wn_t2s, We_t2s, Wm_t2s, bm_t2s, "target_to_source")
    src2tgt = _graph_layer_v1(x, edge_index, edge_attr, Wn_s2t, We_s2t, Wm_s2t, bm_s2t, "source_to_target")
    node_out = (src2tgt + tgt2src) / 2.0
    return (node_out, edge_attr)

if __name__ == "__main__":
    import jax
    _d = setup_inputs()
    print(jax.jit(kernel)(*tuple(_d.values())))

</pallas_src>

<mosaic_0001>
#map = affine_map<(d0, d1) -> (0)>
#map1 = affine_map<(d0, d1) -> (0, 0)>
module attributes {stable_mosaic.version = 14 : i64} {
  func.func @_cnt_body(%arg0: i32, %arg1: i32, %arg2: memref<640000xi32, #tpu.memory_space<hbm>>, %arg3: memref<80x128xf32, #tpu.memory_space<hbm>>, %arg4: memref<80x128xf32, #tpu.memory_space<hbm>>, %arg5: memref<10240x128xf32, #tpu.memory_space<hbm>>, %arg6: memref<10240x128xf32, #tpu.memory_space<hbm>>, %arg7: memref<10240x128xf32, #tpu.memory_space<vmem_shared>>, %arg8: memref<80x128xf32, #tpu.memory_space<vmem>>, %arg9: memref<80x128xf32, #tpu.memory_space<vmem>>, %arg10: memref<80xi32, #tpu.memory_space<vmem>>, %arg11: memref<80xi32, #tpu.memory_space<vmem>>, %arg12: memref<!tpu.dma_semaphore, #tpu.memory_space<semaphore_mem>>, %arg13: memref<!tpu.dma_semaphore, #tpu.memory_space<semaphore_mem>>) attributes {dimension_semantics = [#tpu.dimension_semantics<core_parallel>, #tpu.dimension_semantics<subcore_parallel>], iteration_bounds = array<i64: 2, 16>, scalar_prefetch = 0 : i64, scratch_operands = 7 : i64, tpu.core_type = #tpu.core_type<sc_vector_subcore>, window_params = [{transform_indices = #map}, {transform_indices = #map1}, {transform_indices = #map1}, {transform_indices = #map1}, {transform_indices = #map1}]} {
    %mul3A = arith.constant 640 : i32
    %mul3A_0 = arith.muli %arg1, %mul3A : i32
    %mul3A_1 = arith.constant 20000 : i32
    %mul3A_2 = arith.muli %arg1, %mul3A_1 : i32
    "tpu.region"() ({
      %run_scoped3A = tpu.sem_alloc : memref<!tpu.dma_semaphore, #tpu.memory_space<semaphore_mem>>
      tpu.enqueue_dma source(%arg4 : memref<80x128xf32, #tpu.memory_space<hbm>>) target(%arg9 : memref<80x128xf32, #tpu.memory_space<vmem>>) target_semaphore(%run_scoped3A : memref<!tpu.dma_semaphore, #tpu.memory_space<semaphore_mem>>)
      tpu.wait_dma2 semaphore(%run_scoped3A : memref<!tpu.dma_semaphore, #tpu.memory_space<semaphore_mem>>) src(%arg4 : memref<80x128xf32, #tpu.memory_space<hbm>>) dst(%arg9 : memref<80x128xf32, #tpu.memory_space<vmem>>)
      tpu.yield
    }) : () -> ()
    %scan3A = arith.constant 0 : i32
    %scan3A_3 = arith.constant 0 : i32
    %scan3A_4 = arith.constant 8 : i32
    %scan3A_5 = arith.addi %scan3A_3, %scan3A_4 : i32
    %scan3A_6 = arith.constant 1 : i32
    scf.for %scan3A_33 = %scan3A_3 to %scan3A_5 step %scan3A_6  : i32 {
      %mul3A_34 = arith.constant 80 : i32
      %mul3A_35 = arith.muli %scan3A_33, %mul3A_34 : i32
      %add3A_36 = arith.addi %mul3A_0, %mul3A_35 : i32
      "tpu.region"() ({
        %run_scoped3A = tpu.sem_alloc : memref<!tpu.dma_semaphore, #tpu.memory_space<semaphore_mem>>
        %dma_start3A_37 = arith.constant 0 : i32
        %dma_start3A_38 = tpu.memref_slice %arg7[%add3A_36, %dma_start3A_37] : memref<10240x128xf32, #tpu.memory_space<vmem_shared>> -> memref<80x128xf32, #tpu.memory_space<vmem_shared>>
        %dma_start3A_39 = arith.constant 0 : i32
        %dma_start3A_40 = tpu.memref_slice %arg7[%add3A_36, %dma_start3A_39] : memref<10240x128xf32, #tpu.memory_space<vmem_shared>> -> memref<80x128xf32, #tpu.memory_space<vmem_shared>>
        tpu.enqueue_dma source(%arg9 : memref<80x128xf32, #tpu.memory_space<vmem>>) target(%dma_start3A_40 : memref<80x128xf32, #tpu.memory_space<vmem_shared>>) target_semaphore(%run_scoped3A : memref<!tpu.dma_semaphore, #tpu.memory_space<semaphore_mem>>)
        %dma_wait3A = arith.constant 0 : i32
        %dma_wait3A_41 = tpu.memref_slice %arg7[%add3A_36, %dma_wait3A] : memref<10240x128xf32, #tpu.memory_space<vmem_shared>> -> memref<80x128xf32, #tpu.memory_space<vmem_shared>>
        %dma_wait3A_42 = arith.constant 0 : i32
        %dma_wait3A_43 = tpu.memref_slice %arg7[%add3A_36, %dma_wait3A_42] : memref<10240x128xf32, #tpu.memory_space<vmem_shared>> -> memref<80x128xf32, #tpu.memory_space<vmem_shared>>
        tpu.wait_dma2 semaphore(%run_scoped3A : memref<!tpu.dma_semaphore, #tpu.memory_space<semaphore_mem>>) src(%arg9 : memref<80x128xf32, #tpu.memory_space<vmem>>) dst(%dma_wait3A_43 : memref<80x128xf32, #tpu.memory_space<vmem_shared>>)
        tpu.yield
      }) : () -> ()
    }
    %scan3A_7 = arith.constant 8 : i32
    "tpu.region"() ({
      %run_scoped3A = tpu.sem_alloc : memref<!tpu.dma_semaphore, #tpu.memory_space<semaphore_mem>>
      tpu.enqueue_dma source(%arg3 : memref<80x128xf32, #tpu.memory_space<hbm>>) target(%arg8 : memref<80x128xf32, #tpu.memory_space<vmem>>) target_semaphore(%run_scoped3A : memref<!tpu.dma_semaphore, #tpu.memory_space<semaphore_mem>>)
      tpu.wait_dma2 semaphore(%run_scoped3A : memref<!tpu.dma_semaphore, #tpu.memory_space<semaphore_mem>>) src(%arg3 : memref<80x128xf32, #tpu.memory_space<hbm>>) dst(%arg8 : memref<80x128xf32, #tpu.memory_space<vmem>>)
      tpu.yield
    }) : () -> ()
    %barrier3A = arith.constant 0 : index
    tpu.barrier barrier_id(%barrier3A)
    %sub3A = arith.constant 1 : i32
    %sub3A_8 = arith.subi %sub3A, %arg0 : i32
    %mul3A_9 = arith.constant 320000 : i32
    %mul3A_10 = arith.muli %sub3A_8, %mul3A_9 : i32
    %add3A = arith.addi %mul3A_10, %mul3A_2 : i32
    %add3A_11 = arith.constant 0 : i32
    %add3A_12 = arith.addi %add3A, %add3A_11 : i32
    %dma_start3A = tpu.memref_slice %arg2[%add3A_12] : memref<640000xi32, #tpu.memory_space<hbm>> -> memref<80xi32, #tpu.memory_space<hbm>>
    %dma_start3A_13 = tpu.memref_slice %arg2[%add3A_12] : memref<640000xi32, #tpu.memory_space<hbm>> -> memref<80xi32, #tpu.memory_space<hbm>>
    tpu.enqueue_dma source(%dma_start3A_13 : memref<80xi32, #tpu.memory_space<hbm>>) target(%arg10 : memref<80xi32, #tpu.memory_space<vmem>>) target_semaphore(%arg12 : memref<!tpu.dma_semaphore, #tpu.memory_space<semaphore_mem>>)
    %add3A_14 = arith.addi %mul3A_10, %mul3A_2 : i32
    %add3A_15 = arith.constant 80 : i32
    %add3A_16 = arith.addi %add3A_14, %add3A_15 : i32
    %dma_start3A_17 = tpu.memref_slice %arg2[%add3A_16] : memref<640000xi32, #tpu.memory_space<hbm>> -> memref<80xi32, #tpu.memory_space<hbm>>
    %dma_start3A_18 = tpu.memref_slice %arg2[%add3A_16] : memref<640000xi32, #tpu.memory_space<hbm>> -> memref<80xi32, #tpu.memory_space<hbm>>
    tpu.enqueue_dma source(%dma_start3A_18 : memref<80xi32, #tpu.memory_space<hbm>>) target(%arg11 : memref<80xi32, #tpu.memory_space<vmem>>) target_semaphore(%arg13 : memref<!tpu.dma_semaphore, #tpu.memory_space<semaphore_mem>>)
    %scan3A_19 = arith.constant 0 : i32
    %scan3A_20 = arith.constant 0 : i32
    %scan3A_21 = arith.constant 125 : i32
    %scan3A_22 = arith.addi %scan3A_20, %scan3A_21 : i32
    %scan3A_23 = arith.constant 1 : i32
    scf.for %scan3A_33 = %scan3A_20 to %scan3A_22 step %scan3A_23  : i32 {
      %mul3A_34 = arith.constant 2 : i32
      %mul3A_35 = arith.muli %mul3A_34, %scan3A_33 : i32
      %add3A_36 = arith.constant 0 : i32
      %add3A_37 = arith.addi %mul3A_35, %add3A_36 : i32
      %dma_wait3A = arith.constant 0 : i32
      %dma_wait3A_38 = tpu.memref_slice %arg2[%dma_wait3A] : memref<640000xi32, #tpu.memory_space<hbm>> -> memref<80xi32, #tpu.memory_space<hbm>>
      %dma_wait3A_39 = arith.constant 0 : i32
      %dma_wait3A_40 = tpu.memref_slice %arg2[%dma_wait3A_39] : memref<640000xi32, #tpu.memory_space<hbm>> -> memref<80xi32, #tpu.memory_space<hbm>>
      tpu.wait_dma2 semaphore(%arg12 : memref<!tpu.dma_semaphore, #tpu.memory_space<semaphore_mem>>) src(%dma_wait3A_40 : memref<80xi32, #tpu.memory_space<hbm>>) dst(%arg10 : memref<80xi32, #tpu.memory_space<vmem>>)
      "tpu.region"() ({
        %run_scoped3A = tpu.sem_alloc : memref<!tpu.dma_semaphore, #tpu.memory_space<semaphore_mem>>
        %dma_start3A_62 = arith.constant 0 : i32
        %dma_start3A_63 = arith.constant 0 : i32
        %dma_start3A_64 = tpu.memref_slice %arg7[%dma_start3A_62, %dma_start3A_63] : memref<10240x128xf32, #tpu.memory_space<vmem_shared>> -> memref<10240x128xf32, #tpu.memory_space<vmem_shared>>
        tpu.enqueue_indirect_dma source(%arg8 : memref<80x128xf32, #tpu.memory_space<vmem>>) target(%dma_start3A_64 : memref<10240x128xf32, #tpu.memory_space<vmem_shared>>) offsets(%arg10 : memref<80xi32, #tpu.memory_space<vmem>>) semaphore(%run_scoped3A : memref<!tpu.dma_semaphore, #tpu.memory_space<semaphore_mem>>) {add = true}
        %dma_wait3A_65 = arith.constant 0 : i32
        %dma_wait3A_66 = arith.constant 0 : i32
        %dma_wait3A_67 = tpu.memref_slice %arg7[%dma_wait3A_65, %dma_wait3A_66] : memref<10240x128xf32, #tpu.memory_space<vmem_shared>> -> memref<10240x128xf32, #tpu.memory_space<vmem_shared>>
        tpu.wait_indirect_dma semaphore(%run_scoped3A : memref<!tpu.dma_semaphore, #tpu.memory_space<semaphore_mem>>) src(%arg8 : memref<80x128xf32, #tpu.memory_space<vmem>>) dst(%dma_wait3A_67 : memref<10240x128xf32, #tpu.memory_space<vmem_shared>>)
        tpu.yield
      }) : () -> ()
      %add3A_41 = arith.constant 2 : i32
      %add3A_42 = arith.addi %add3A_37, %add3A_41 : i32
      %lt3A = arith.constant 250 : i32
      %lt3A_43 = arith.cmpi slt, %add3A_42, %lt3A : i32
      %convert_element_type3A_44 = arith.extui %lt3A_43 : i1 to i32
      %cond3A_45 = arith.constant 0 : i32
      %cond3A_46 = arith.cmpi ne, %convert_element_type3A_44, %cond3A_45 : i32
      scf.if %cond3A_46 {
        %add3A_62 = arith.constant 2 : i32
        %add3A_63 = arith.addi %add3A_37, %add3A_62 : i32
        %add3A_64 = arith.addi %mul3A_10, %mul3A_2 : i32
        %mul3A_65 = arith.constant 80 : i32
        %mul3A_66 = arith.muli %add3A_63, %mul3A_65 : i32
        %add3A_67 = arith.addi %add3A_64, %mul3A_66 : i32
        %dma_start3A_68 = tpu.memref_slice %arg2[%add3A_67] : memref<640000xi32, #tpu.memory_space<hbm>> -> memref<80xi32, #tpu.memory_space<hbm>>
        %dma_start3A_69 = tpu.memref_slice %arg2[%add3A_67] : memref<640000xi32, #tpu.memory_space<hbm>> -> memref<80xi32, #tpu.memory_space<hbm>>
        tpu.enqueue_dma source(%dma_start3A_69 : memref<80xi32, #tpu.memory_space<hbm>>) target(%arg10 : memref<80xi32, #tpu.memory_space<vmem>>) target_semaphore(%arg12 : memref<!tpu.dma_semaphore, #tpu.memory_space<semaphore_mem>>)
      } else {
      }
      %mul3A_47 = arith.constant 2 : i32
      %mul3A_48 = arith.muli %mul3A_47, %scan3A_33 : i32
      %add3A_49 = arith.constant 1 : i32
      %add3A_50 = arith.addi %mul3A_48, %add3A_49 : i32
      %dma_wait3A_51 = arith.constant 0 : i32
      %dma_wait3A_52 = tpu.memref_slice %arg2[%dma_wait3A_51] : memref<640000xi32, #tpu.memory_space<hbm>> -> memref<80xi32, #tpu.memory_space<hbm>>
      %dma_wait3A_53 = arith.constant 0 : i32
      %dma_wait3A_54 = tpu.memref_slice %arg2[%dma_wait3A_53] : memref<640000xi32, #tpu.memory_space<hbm>> -> memref<80xi32, #tpu.memory_space<hbm>>
      tpu.wait_dma2 semaphore(%arg13 : memref<!tpu.dma_semaphore, #tpu.memory_space<semaphore_mem>>) src(%dma_wait3A_54 : memref<80xi32, #tpu.memory_space<hbm>>) dst(%arg11 : memref<80xi32, #tpu.memory_space<vmem>>)
      "tpu.region"() ({
        %run_scoped3A = tpu.sem_alloc : memref<!tpu.dma_semaphore, #tpu.memory_space<semaphore_mem>>
        %dma_start3A_62 = arith.constant 0 : i32
        %dma_start3A_63 = arith.constant 0 : i32
        %dma_start3A_64 = tpu.memref_slice %arg7[%dma_start3A_62, %dma_start3A_63] : memref<10240x128xf32, #tpu.memory_space<vmem_shared>> -> memref<10240x128xf32, #tpu.memory_space<vmem_shared>>
        tpu.enqueue_indirect_dma source(%arg8 : memref<80x128xf32, #tpu.memory_space<vmem>>) target(%dma_start3A_64 : memref<10240x128xf32, #tpu.memory_space<vmem_shared>>) offsets(%arg11 : memref<80xi32, #tpu.memory_space<vmem>>) semaphore(%run_scoped3A : memref<!tpu.dma_semaphore, #tpu.memory_space<semaphore_mem>>) {add = true}
        %dma_wait3A_65 = arith.constant 0 : i32
        %dma_wait3A_66 = arith.constant 0 : i32
        %dma_wait3A_67 = tpu.memref_slice %arg7[%dma_wait3A_65, %dma_wait3A_66] : memref<10240x128xf32, #tpu.memory_space<vmem_shared>> -> memref<10240x128xf32, #tpu.memory_space<vmem_shared>>
        tpu.wait_indirect_dma semaphore(%run_scoped3A : memref<!tpu.dma_semaphore, #tpu.memory_space<semaphore_mem>>) src(%arg8 : memref<80x128xf32, #tpu.memory_space<vmem>>) dst(%dma_wait3A_67 : memref<10240x128xf32, #tpu.memory_space<vmem_shared>>)
        tpu.yield
      }) : () -> ()
      %add3A_55 = arith.constant 2 : i32
      %add3A_56 = arith.addi %add3A_50, %add3A_55 : i32
      %lt3A_57 = arith.constant 250 : i32
      %lt3A_58 = arith.cmpi slt, %add3A_56, %lt3A_57 : i32
      %convert_element_type3A_59 = arith.extui %lt3A_58 : i1 to i32
      %cond3A_60 = arith.constant 0 : i32
      %cond3A_61 = arith.cmpi ne, %convert_element_type3A_59, %cond3A_60 : i32
      scf.if %cond3A_61 {
        %add3A_62 = arith.constant 2 : i32
        %add3A_63 = arith.addi %add3A_50, %add3A_62 : i32
        %add3A_64 = arith.addi %mul3A_10, %mul3A_2 : i32
        %mul3A_65 = arith.constant 80 : i32
        %mul3A_66 = arith.muli %add3A_63, %mul3A_65 : i32
        %add3A_67 = arith.addi %add3A_64, %mul3A_66 : i32
        %dma_start3A_68 = tpu.memref_slice %arg2[%add3A_67] : memref<640000xi32, #tpu.memory_space<hbm>> -> memref<80xi32, #tpu.memory_space<hbm>>
        %dma_start3A_69 = tpu.memref_slice %arg2[%add3A_67] : memref<640000xi32, #tpu.memory_space<hbm>> -> memref<80xi32, #tpu.memory_space<hbm>>
        tpu.enqueue_dma source(%dma_start3A_69 : memref<80xi32, #tpu.memory_space<hbm>>) target(%arg11 : memref<80xi32, #tpu.memory_space<vmem>>) target_semaphore(%arg13 : memref<!tpu.dma_semaphore, #tpu.memory_space<semaphore_mem>>)
      } else {
      }
    }
    %scan3A_24 = arith.constant 125 : i32
    %barrier3A_25 = arith.constant 0 : index
    tpu.barrier barrier_id(%barrier3A_25)
    %eq3A = arith.constant 0 : i32
    %eq3A_26 = arith.cmpi eq, %arg0, %eq3A : i32
    %convert_element_type3A = arith.extui %eq3A_26 : i1 to i32
    %cond3A = arith.constant 0 : i32
    %cond3A_27 = arith.cmpi ne, %convert_element_type3A, %cond3A : i32
    scf.if %cond3A_27 {
      %scan3A_33 = arith.constant 0 : i32
      %scan3A_34 = arith.constant 0 : i32
      %scan3A_35 = arith.constant 8 : i32
      %scan3A_36 = arith.addi %scan3A_34, %scan3A_35 : i32
      %scan3A_37 = arith.constant 1 : i32
      scf.for %scan3A_39 = %scan3A_34 to %scan3A_36 step %scan3A_37  : i32 {
        %mul3A_40 = arith.constant 80 : i32
        %mul3A_41 = arith.muli %scan3A_39, %mul3A_40 : i32
        %add3A_42 = arith.addi %mul3A_0, %mul3A_41 : i32
        "tpu.region"() ({
          %run_scoped3A = tpu.sem_alloc : memref<!tpu.dma_semaphore, #tpu.memory_space<semaphore_mem>>
          %dma_start3A_46 = arith.constant 0 : i32
          %dma_start3A_47 = tpu.memref_slice %arg7[%add3A_42, %dma_start3A_46] : memref<10240x128xf32, #tpu.memory_space<vmem_shared>> -> memref<80x128xf32, #tpu.memory_space<vmem_shared>>
          %dma_start3A_48 = arith.constant 0 : i32
          %dma_start3A_49 = tpu.memref_slice %arg7[%add3A_42, %dma_start3A_48] : memref<10240x128xf32, #tpu.memory_space<vmem_shared>> -> memref<80x128xf32, #tpu.memory_space<vmem_shared>>
          tpu.enqueue_dma source(%dma_start3A_49 : memref<80x128xf32, #tpu.memory_space<vmem_shared>>) target(%arg9 : memref<80x128xf32, #tpu.memory_space<vmem>>) target_semaphore(%run_scoped3A : memref<!tpu.dma_semaphore, #tpu.memory_space<semaphore_mem>>)
          %dma_wait3A = arith.constant 0 : i32
          %dma_wait3A_50 = tpu.memref_slice %arg7[%add3A_42, %dma_wait3A] : memref<10240x128xf32, #tpu.memory_space<vmem_shared>> -> memref<80x128xf32, #tpu.memory_space<vmem_shared>>
          %dma_wait3A_51 = arith.constant 0 : i32
          %dma_wait3A_52 = tpu.memref_slice %arg7[%add3A_42, %dma_wait3A_51] : memref<10240x128xf32, #tpu.memory_space<vmem_shared>> -> memref<80x128xf32, #tpu.memory_space<vmem_shared>>
          tpu.wait_dma2 semaphore(%run_scoped3A : memref<!tpu.dma_semaphore, #tpu.memory_space<semaphore_mem>>) src(%dma_wait3A_52 : memref<80x128xf32, #tpu.memory_space<vmem_shared>>) dst(%arg9 : memref<80x128xf32, #tpu.memory_space<vmem>>)
          tpu.yield
        }) : () -> ()
        %mul3A_43 = arith.constant 80 : i32
        %mul3A_44 = arith.muli %scan3A_39, %mul3A_43 : i32
        %add3A_45 = arith.addi %mul3A_0, %mul3A_44 : i32
        "tpu.region"() ({
          %run_scoped3A = tpu.sem_alloc : memref<!tpu.dma_semaphore, #tpu.memory_space<semaphore_mem>>
          %dma_start3A_46 = arith.constant 0 : i32
          %dma_start3A_47 = tpu.memref_slice %arg5[%add3A_45, %dma_start3A_46] : memref<10240x128xf32, #tpu.memory_space<hbm>> -> memref<80x128xf32, #tpu.memory_space<hbm>>
          %dma_start3A_48 = arith.constant 0 : i32
          %dma_start3A_49 = tpu.memref_slice %arg5[%add3A_45, %dma_start3A_48] : memref<10240x128xf32, #tpu.memory_space<hbm>> -> memref<80x128xf32, #tpu.memory_space<hbm>>
          tpu.enqueue_dma source(%arg9 : memref<80x128xf32, #tpu.memory_space<vmem>>) target(%dma_start3A_49 : memref<80x128xf32, #tpu.memory_space<hbm>>) target_semaphore(%run_scoped3A : memref<!tpu.dma_semaphore, #tpu.memory_space<semaphore_mem>>)
          %dma_wait3A = arith.constant 0 : i32
          %dma_wait3A_50 = tpu.memref_slice %arg5[%add3A_45, %dma_wait3A] : memref<10240x128xf32, #tpu.memory_space<hbm>> -> memref<80x128xf32, #tpu.memory_space<hbm>>
          %dma_wait3A_51 = arith.constant 0 : i32
          %dma_wait3A_52 = tpu.memref_slice %arg5[%add3A_45, %dma_wait3A_51] : memref<10240x128xf32, #tpu.memory_space<hbm>> -> memref<80x128xf32, #tpu.memory_space<hbm>>
          tpu.wait_dma2 semaphore(%run_scoped3A : memref<!tpu.dma_semaphore, #tpu.memory_space<semaphore_mem>>) src(%arg9 : memref<80x128xf32, #tpu.memory_space<vmem>>) dst(%dma_wait3A_52 : memref<80x128xf32, #tpu.memory_space<hbm>>)
          tpu.yield
        }) : () -> ()
      }
      %scan3A_38 = arith.constant 8 : i32
    } else {
    }
    %eq3A_28 = arith.constant 1 : i32
    %eq3A_29 = arith.cmpi eq, %arg0, %eq3A_28 : i32
    %convert_element_type3A_30 = arith.extui %eq3A_29 : i1 to i32
    %cond3A_31 = arith.constant 0 : i32
    %cond3A_32 = arith.cmpi ne, %convert_element_type3A_30, %cond3A_31 : i32
    scf.if %cond3A_32 {
      %scan3A_33 = arith.constant 0 : i32
      %scan3A_34 = arith.constant 0 : i32
      %scan3A_35 = arith.constant 8 : i32
      %scan3A_36 = arith.addi %scan3A_34, %scan3A_35 : i32
      %scan3A_37 = arith.constant 1 : i32
      scf.for %scan3A_39 = %scan3A_34 to %scan3A_36 step %scan3A_37  : i32 {
        %mul3A_40 = arith.constant 80 : i32
        %mul3A_41 = arith.muli %scan3A_39, %mul3A_40 : i32
        %add3A_42 = arith.addi %mul3A_0, %mul3A_41 : i32
        "tpu.region"() ({
          %run_scoped3A = tpu.sem_alloc : memref<!tpu.dma_semaphore, #tpu.memory_space<semaphore_mem>>
          %dma_start3A_46 = arith.constant 0 : i32
          %dma_start3A_47 = tpu.memref_slice %arg7[%add3A_42, %dma_start3A_46] : memref<10240x128xf32, #tpu.memory_space<vmem_shared>> -> memref<80x128xf32, #tpu.memory_space<vmem_shared>>
          %dma_start3A_48 = arith.constant 0 : i32
          %dma_start3A_49 = tpu.memref_slice %arg7[%add3A_42, %dma_start3A_48] : memref<10240x128xf32, #tpu.memory_space<vmem_shared>> -> memref<80x128xf32, #tpu.memory_space<vmem_shared>>
          tpu.enqueue_dma source(%dma_start3A_49 : memref<80x128xf32, #tpu.memory_space<vmem_shared>>) target(%arg9 : memref<80x128xf32, #tpu.memory_space<vmem>>) target_semaphore(%run_scoped3A : memref<!tpu.dma_semaphore, #tpu.memory_space<semaphore_mem>>)
          %dma_wait3A = arith.constant 0 : i32
          %dma_wait3A_50 = tpu.memref_slice %arg7[%add3A_42, %dma_wait3A] : memref<10240x128xf32, #tpu.memory_space<vmem_shared>> -> memref<80x128xf32, #tpu.memory_space<vmem_shared>>
          %dma_wait3A_51 = arith.constant 0 : i32
          %dma_wait3A_52 = tpu.memref_slice %arg7[%add3A_42, %dma_wait3A_51] : memref<10240x128xf32, #tpu.memory_space<vmem_shared>> -> memref<80x128xf32, #tpu.memory_space<vmem_shared>>
          tpu.wait_dma2 semaphore(%run_scoped3A : memref<!tpu.dma_semaphore, #tpu.memory_space<semaphore_mem>>) src(%dma_wait3A_52 : memref<80x128xf32, #tpu.memory_space<vmem_shared>>) dst(%arg9 : memref<80x128xf32, #tpu.memory_space<vmem>>)
          tpu.yield
        }) : () -> ()
        %mul3A_43 = arith.constant 80 : i32
        %mul3A_44 = arith.muli %scan3A_39, %mul3A_43 : i32
        %add3A_45 = arith.addi %mul3A_0, %mul3A_44 : i32
        "tpu.region"() ({
          %run_scoped3A = tpu.sem_alloc : memref<!tpu.dma_semaphore, #tpu.memory_space<semaphore_mem>>
          %dma_start3A_46 = arith.constant 0 : i32
          %dma_start3A_47 = tpu.memref_slice %arg6[%add3A_45, %dma_start3A_46] : memref<10240x128xf32, #tpu.memory_space<hbm>> -> memref<80x128xf32, #tpu.memory_space<hbm>>
          %dma_start3A_48 = arith.constant 0 : i32
          %dma_start3A_49 = tpu.memref_slice %arg6[%add3A_45, %dma_start3A_48] : memref<10240x128xf32, #tpu.memory_space<hbm>> -> memref<80x128xf32, #tpu.memory_space<hbm>>
          tpu.enqueue_dma source(%arg9 : memref<80x128xf32, #tpu.memory_space<vmem>>) target(%dma_start3A_49 : memref<80x128xf32, #tpu.memory_space<hbm>>) target_semaphore(%run_scoped3A : memref<!tpu.dma_semaphore, #tpu.memory_space<semaphore_mem>>)
          %dma_wait3A = arith.constant 0 : i32
          %dma_wait3A_50 = tpu.memref_slice %arg6[%add3A_45, %dma_wait3A] : memref<10240x128xf32, #tpu.memory_space<hbm>> -> memref<80x128xf32, #tpu.memory_space<hbm>>
          %dma_wait3A_51 = arith.constant 0 : i32
          %dma_wait3A_52 = tpu.memref_slice %arg6[%add3A_45, %dma_wait3A_51] : memref<10240x128xf32, #tpu.memory_space<hbm>> -> memref<80x128xf32, #tpu.memory_space<hbm>>
          tpu.wait_dma2 semaphore(%run_scoped3A : memref<!tpu.dma_semaphore, #tpu.memory_space<semaphore_mem>>) src(%arg9 : memref<80x128xf32, #tpu.memory_space<vmem>>) dst(%dma_wait3A_52 : memref<80x128xf32, #tpu.memory_space<hbm>>)
          tpu.yield
        }) : () -> ()
      }
      %scan3A_38 = arith.constant 8 : i32
    } else {
    }
    return
  }
}

#map = affine_map<(d0, d1) -> (0)>
#map1 = affine_map<(d0, d1) -> (0, 0)>
module attributes {stable_mosaic.version = 14 : i64} {
  func.func @_ea_body(%arg0: i32, %arg1: i32, %arg2: memref<640000xi32, #tpu.memory_space<hbm>>, %arg3: memref<320000x128xf32, #tpu.memory_space<hbm>>, %arg4: memref<80x128xf32, #tpu.memory_space<hbm>>, %arg5: memref<10240x128xf32, #tpu.memory_space<hbm>>, %arg6: memref<10240x128xf32, #tpu.memory_space<hbm>>, %arg7: memref<10240x128xf32, #tpu.memory_space<vmem_shared>>, %arg8: memref<80x128xf32, #tpu.memory_space<vmem>>, %arg9: memref<80x128xf32, #tpu.memory_space<vmem>>, %arg10: memref<80xi32, #tpu.memory_space<vmem>>, %arg11: memref<80xi32, #tpu.memory_space<vmem>>, %arg12: memref<!tpu.dma_semaphore, #tpu.memory_space<semaphore_mem>>, %arg13: memref<!tpu.dma_semaphore, #tpu.memory_space<semaphore_mem>>) attributes {dimension_semantics = [#tpu.dimension_semantics<core_parallel>, #tpu.dimension_semantics<subcore_parallel>], iteration_bounds = array<i64: 2, 16>, scalar_prefetch = 0 : i64, scratch_operands = 7 : i64, tpu.core_type = #tpu.core_type<sc_vector_subcore>, window_params = [{transform_indices = #map}, {transform_indices = #map1}, {transform_indices = #map1}, {transform_indices = #map1}, {transform_indices = #map1}]} {
    %mul3A = arith.constant 640 : i32
    %mul3A_0 = arith.muli %arg1, %mul3A : i32
    %mul3A_1 = arith.constant 20000 : i32
    %mul3A_2 = arith.muli %arg1, %mul3A_1 : i32
    "tpu.region"() ({
      %run_scoped3A = tpu.sem_alloc : memref<!tpu.dma_semaphore, #tpu.memory_space<semaphore_mem>>
      tpu.enqueue_dma source(%arg4 : memref<80x128xf32, #tpu.memory_space<hbm>>) target(%arg8 : memref<80x128xf32, #tpu.memory_space<vmem>>) target_semaphore(%run_scoped3A : memref<!tpu.dma_semaphore, #tpu.memory_space<semaphore_mem>>)
      tpu.wait_dma2 semaphore(%run_scoped3A : memref<!tpu.dma_semaphore, #tpu.memory_space<semaphore_mem>>) src(%arg4 : memref<80x128xf32, #tpu.memory_space<hbm>>) dst(%arg8 : memref<80x128xf32, #tpu.memory_space<vmem>>)
      tpu.yield
    }) : () -> ()
    %scan3A = arith.constant 0 : i32
    %scan3A_3 = arith.constant 0 : i32
    %scan3A_4 = arith.constant 8 : i32
    %scan3A_5 = arith.addi %scan3A_3, %scan3A_4 : i32
    %scan3A_6 = arith.constant 1 : i32
    scf.for %scan3A_41 = %scan3A_3 to %scan3A_5 step %scan3A_6  : i32 {
      %mul3A_42 = arith.constant 80 : i32
      %mul3A_43 = arith.muli %scan3A_41, %mul3A_42 : i32
      %add3A_44 = arith.addi %mul3A_0, %mul3A_43 : i32
      "tpu.region"() ({
        %run_scoped3A = tpu.sem_alloc : memref<!tpu.dma_semaphore, #tpu.memory_space<semaphore_mem>>
        %dma_start3A_45 = arith.constant 0 : i32
        %dma_start3A_46 = tpu.memref_slice %arg7[%add3A_44, %dma_start3A_45] : memref<10240x128xf32, #tpu.memory_space<vmem_shared>> -> memref<80x128xf32, #tpu.memory_space<vmem_shared>>
        %dma_start3A_47 = arith.constant 0 : i32
        %dma_start3A_48 = tpu.memref_slice %arg7[%add3A_44, %dma_start3A_47] : memref<10240x128xf32, #tpu.memory_space<vmem_shared>> -> memref<80x128xf32, #tpu.memory_space<vmem_shared>>
        tpu.enqueue_dma source(%arg8 : memref<80x128xf32, #tpu.memory_space<vmem>>) target(%dma_start3A_48 : memref<80x128xf32, #tpu.memory_space<vmem_shared>>) target_semaphore(%run_scoped3A : memref<!tpu.dma_semaphore, #tpu.memory_space<semaphore_mem>>)
        %dma_wait3A = arith.constant 0 : i32
        %dma_wait3A_49 = tpu.memref_slice %arg7[%add3A_44, %dma_wait3A] : memref<10240x128xf32, #tpu.memory_space<vmem_shared>> -> memref<80x128xf32, #tpu.memory_space<vmem_shared>>
        %dma_wait3A_50 = arith.constant 0 : i32
        %dma_wait3A_51 = tpu.memref_slice %arg7[%add3A_44, %dma_wait3A_50] : memref<10240x128xf32, #tpu.memory_space<vmem_shared>> -> memref<80x128xf32, #tpu.memory_space<vmem_shared>>
        tpu.wait_dma2 semaphore(%run_scoped3A : memref<!tpu.dma_semaphore, #tpu.memory_space<semaphore_mem>>) src(%arg8 : memref<80x128xf32, #tpu.memory_space<vmem>>) dst(%dma_wait3A_51 : memref<80x128xf32, #tpu.memory_space<vmem_shared>>)
        tpu.yield
      }) : () -> ()
    }
    %scan3A_7 = arith.constant 8 : i32
    %barrier3A = arith.constant 0 : index
    tpu.barrier barrier_id(%barrier3A)
    %sub3A = arith.constant 1 : i32
    %sub3A_8 = arith.subi %sub3A, %arg0 : i32
    %mul3A_9 = arith.constant 320000 : i32
    %mul3A_10 = arith.muli %sub3A_8, %mul3A_9 : i32
    %add3A = arith.constant 0 : i32
    %add3A_11 = arith.addi %mul3A_2, %add3A : i32
    %add3A_12 = arith.addi %mul3A_10, %add3A_11 : i32
    %dma_start3A = tpu.memref_slice %arg2[%add3A_12] : memref<640000xi32, #tpu.memory_space<hbm>> -> memref<80xi32, #tpu.memory_space<hbm>>
    %dma_start3A_13 = tpu.memref_slice %arg2[%add3A_12] : memref<640000xi32, #tpu.memory_space<hbm>> -> memref<80xi32, #tpu.memory_space<hbm>>
    tpu.enqueue_dma source(%dma_start3A_13 : memref<80xi32, #tpu.memory_space<hbm>>) target(%arg10 : memref<80xi32, #tpu.memory_space<vmem>>) target_semaphore(%arg12 : memref<!tpu.dma_semaphore, #tpu.memory_space<semaphore_mem>>)
    %dma_start3A_14 = arith.constant 0 : i32
    %dma_start3A_15 = tpu.memref_slice %arg3[%add3A_11, %dma_start3A_14] : memref<320000x128xf32, #tpu.memory_space<hbm>> -> memref<80x128xf32, #tpu.memory_space<hbm>>
    %dma_start3A_16 = arith.constant 0 : i32
    %dma_start3A_17 = tpu.memref_slice %arg3[%add3A_11, %dma_start3A_16] : memref<320000x128xf32, #tpu.memory_space<hbm>> -> memref<80x128xf32, #tpu.memory_space<hbm>>
    tpu.enqueue_dma source(%dma_start3A_17 : memref<80x128xf32, #tpu.memory_space<hbm>>) target(%arg8 : memref<80x128xf32, #tpu.memory_space<vmem>>) target_semaphore(%arg12 : memref<!tpu.dma_semaphore, #tpu.memory_space<semaphore_mem>>)
    %add3A_18 = arith.constant 80 : i32
    %add3A_19 = arith.addi %mul3A_2, %add3A_18 : i32
    %add3A_20 = arith.addi %mul3A_10, %add3A_19 : i32
    %dma_start3A_21 = tpu.memref_slice %arg2[%add3A_20] : memref<640000xi32, #tpu.memory_space<hbm>> -> memref<80xi32, #tpu.memory_space<hbm>>
    %dma_start3A_22 = tpu.memref_slice %arg2[%add3A_20] : memref<640000xi32, #tpu.memory_space<hbm>> -> memref<80xi32, #tpu.memory_space<hbm>>
    tpu.enqueue_dma source(%dma_start3A_22 : memref<80xi32, #tpu.memory_space<hbm>>) target(%arg11 : memref<80xi32, #tpu.memory_space<vmem>>) target_semaphore(%arg13 : memref<!tpu.dma_semaphore, #tpu.memory_space<semaphore_mem>>)
    %dma_start3A_23 = arith.constant 0 : i32
    %dma_start3A_24 = tpu.memref_slice %arg3[%add3A_19, %dma_start3A_23] : memref<320000x128xf32, #tpu.memory_space<hbm>> -> memref<80x128xf32, #tpu.memory_space<hbm>>
    %dma_start3A_25 = arith.constant 0 : i32
    %dma_start3A_26 = tpu.memref_slice %arg3[%add3A_19, %dma_start3A_25] : memref<320000x128xf32, #tpu.memory_space<hbm>> -> memref<80x128xf32, #tpu.memory_space<hbm>>
    tpu.enqueue_dma source(%dma_start3A_26 : memref<80x128xf32, #tpu.memory_space<hbm>>) target(%arg9 : memref<80x128xf32, #tpu.memory_space<vmem>>) target_semaphore(%arg13 : memref<!tpu.dma_semaphore, #tpu.memory_space<semaphore_mem>>)
    %scan3A_27 = arith.constant 0 : i32
    %scan3A_28 = arith.constant 0 : i32
    %scan3A_29 = arith.constant 125 : i32
    %scan3A_30 = arith.addi %scan3A_28, %scan3A_29 : i32
    %scan3A_31 = arith.constant 1 : i32
    scf.for %scan3A_41 = %scan3A_28 to %scan3A_30 step %scan3A_31  : i32 {
      %mul3A_42 = arith.constant 2 : i32
      %mul3A_43 = arith.muli %mul3A_42, %scan3A_41 : i32
      %add3A_44 = arith.constant 0 : i32
      %add3A_45 = arith.addi %mul3A_43, %add3A_44 : i32
      %dma_wait3A = arith.constant 0 : i32
      %dma_wait3A_46 = tpu.memref_slice %arg2[%dma_wait3A] : memref<640000xi32, #tpu.memory_space<hbm>> -> memref<80xi32, #tpu.memory_space<hbm>>
      %dma_wait3A_47 = arith.constant 0 : i32
      %dma_wait3A_48 = tpu.memref_slice %arg2[%dma_wait3A_47] : memref<640000xi32, #tpu.memory_space<hbm>> -> memref<80xi32, #tpu.memory_space<hbm>>
      tpu.wait_dma2 semaphore(%arg12 : memref<!tpu.dma_semaphore, #tpu.memory_space<semaphore_mem>>) src(%dma_wait3A_48 : memref<80xi32, #tpu.memory_space<hbm>>) dst(%arg10 : memref<80xi32, #tpu.memory_space<vmem>>)
      %dma_wait3A_49 = arith.constant 0 : i32
      %dma_wait3A_50 = arith.constant 0 : i32
      %dma_wait3A_51 = tpu.memref_slice %arg3[%dma_wait3A_49, %dma_wait3A_50] : memref<320000x128xf32, #tpu.memory_space<hbm>> -> memref<80x128xf32, #tpu.memory_space<hbm>>
      %dma_wait3A_52 = arith.constant 0 : i32
      %dma_wait3A_53 = arith.constant 0 : i32
      %dma_wait3A_54 = tpu.memref_slice %arg3[%dma_wait3A_52, %dma_wait3A_53] : memref<320000x128xf32, #tpu.memory_space<hbm>> -> memref<80x128xf32, #tpu.memory_space<hbm>>
      tpu.wait_dma2 semaphore(%arg12 : memref<!tpu.dma_semaphore, #tpu.memory_space<semaphore_mem>>) src(%dma_wait3A_54 : memref<80x128xf32, #tpu.memory_space<hbm>>) dst(%arg8 : memref<80x128xf32, #tpu.memory_space<vmem>>)
      "tpu.region"() ({
        %run_scoped3A = tpu.sem_alloc : memref<!tpu.dma_semaphore, #tpu.memory_space<semaphore_mem>>
        %dma_start3A_82 = arith.constant 0 : i32
        %dma_start3A_83 = arith.constant 0 : i32
        %dma_start3A_84 = tpu.memref_slice %arg7[%dma_start3A_82, %dma_start3A_83] : memref<10240x128xf32, #tpu.memory_space<vmem_shared>> -> memref<10240x128xf32, #tpu.memory_space<vmem_shared>>
        tpu.enqueue_indirect_dma source(%arg8 : memref<80x128xf32, #tpu.memory_space<vmem>>) target(%dma_start3A_84 : memref<10240x128xf32, #tpu.memory_space<vmem_shared>>) offsets(%arg10 : memref<80xi32, #tpu.memory_space<vmem>>) semaphore(%run_scoped3A : memref<!tpu.dma_semaphore, #tpu.memory_space<semaphore_mem>>) {add = true}
        %dma_wait3A_85 = arith.constant 0 : i32
        %dma_wait3A_86 = arith.constant 0 : i32
        %dma_wait3A_87 = tpu.memref_slice %arg7[%dma_wait3A_85, %dma_wait3A_86] : memref<10240x128xf32, #tpu.memory_space<vmem_shared>> -> memref<10240x128xf32, #tpu.memory_space<vmem_shared>>
        tpu.wait_indirect_dma semaphore(%run_scoped3A : memref<!tpu.dma_semaphore, #tpu.memory_space<semaphore_mem>>) src(%arg8 : memref<80x128xf32, #tpu.memory_space<vmem>>) dst(%dma_wait3A_87 : memref<10240x128xf32, #tpu.memory_space<vmem_shared>>)
        tpu.yield
      }) : () -> ()
      %add3A_55 = arith.constant 2 : i32
      %add3A_56 = arith.addi %add3A_45, %add3A_55 : i32
      %lt3A = arith.constant 250 : i32
      %lt3A_57 = arith.cmpi slt, %add3A_56, %lt3A : i32
      %convert_element_type3A_58 = arith.extui %lt3A_57 : i1 to i32
      %cond3A_59 = arith.constant 0 : i32
      %cond3A_60 = arith.cmpi ne, %convert_element_type3A_58, %cond3A_59 : i32
      scf.if %cond3A_60 {
        %add3A_82 = arith.constant 2 : i32
        %add3A_83 = arith.addi %add3A_45, %add3A_82 : i32
        %mul3A_84 = arith.constant 80 : i32
        %mul3A_85 = arith.muli %add3A_83, %mul3A_84 : i32
        %add3A_86 = arith.addi %mul3A_2, %mul3A_85 : i32
        %add3A_87 = arith.addi %mul3A_10, %add3A_86 : i32
        %dma_start3A_88 = tpu.memref_slice %arg2[%add3A_87] : memref<640000xi32, #tpu.memory_space<hbm>> -> memref<80xi32, #tpu.memory_space<hbm>>
        %dma_start3A_89 = tpu.memref_slice %arg2[%add3A_87] : memref<640000xi32, #tpu.memory_space<hbm>> -> memref<80xi32, #tpu.memory_space<hbm>>
        tpu.enqueue_dma source(%dma_start3A_89 : memref<80xi32, #tpu.memory_space<hbm>>) target(%arg10 : memref<80xi32, #tpu.memory_space<vmem>>) target_semaphore(%arg12 : memref<!tpu.dma_semaphore, #tpu.memory_space<semaphore_mem>>)
        %dma_start3A_90 = arith.constant 0 : i32
        %dma_start3A_91 = tpu.memref_slice %arg3[%add3A_86, %dma_start3A_90] : memref<320000x128xf32, #tpu.memory_space<hbm>> -> memref<80x128xf32, #tpu.memory_space<hbm>>
        %dma_start3A_92 = arith.constant 0 : i32
        %dma_start3A_93 = tpu.memref_slice %arg3[%add3A_86, %dma_start3A_92] : memref<320000x128xf32, #tpu.memory_space<hbm>> -> memref<80x128xf32, #tpu.memory_space<hbm>>
        tpu.enqueue_dma source(%dma_start3A_93 : memref<80x128xf32, #tpu.memory_space<hbm>>) target(%arg8 : memref<80x128xf32, #tpu.memory_space<vmem>>) target_semaphore(%arg12 : memref<!tpu.dma_semaphore, #tpu.memory_space<semaphore_mem>>)
      } else {
      }
      %mul3A_61 = arith.constant 2 : i32
      %mul3A_62 = arith.muli %mul3A_61, %scan3A_41 : i32
      %add3A_63 = arith.constant 1 : i32
      %add3A_64 = arith.addi %mul3A_62, %add3A_63 : i32
      %dma_wait3A_65 = arith.constant 0 : i32
      %dma_wait3A_66 = tpu.memref_slice %arg2[%dma_wait3A_65] : memref<640000xi32, #tpu.memory_space<hbm>> -> memref<80xi32, #tpu.memory_space<hbm>>
      %dma_wait3A_67 = arith.constant 0 : i32
      %dma_wait3A_68 = tpu.memref_slice %arg2[%dma_wait3A_67] : memref<640000xi32, #tpu.memory_space<hbm>> -> memref<80xi32, #tpu.memory_space<hbm>>
      tpu.wait_dma2 semaphore(%arg13 : memref<!tpu.dma_semaphore, #tpu.memory_space<semaphore_mem>>) src(%dma_wait3A_68 : memref<80xi32, #tpu.memory_space<hbm>>) dst(%arg11 : memref<80xi32, #tpu.memory_space<vmem>>)
      %dma_wait3A_69 = arith.constant 0 : i32
      %dma_wait3A_70 = arith.constant 0 : i32
      %dma_wait3A_71 = tpu.memref_slice %arg3[%dma_wait3A_69, %dma_wait3A_70] : memref<320000x128xf32, #tpu.memory_space<hbm>> -> memref<80x128xf32, #tpu.memory_space<hbm>>
      %dma_wait3A_72 = arith.constant 0 : i32
      %dma_wait3A_73 = arith.constant 0 : i32
      %dma_wait3A_74 = tpu.memref_slice %arg3[%dma_wait3A_72, %dma_wait3A_73] : memref<320000x128xf32, #tpu.memory_space<hbm>> -> memref<80x128xf32, #tpu.memory_space<hbm>>
      tpu.wait_dma2 semaphore(%arg13 : memref<!tpu.dma_semaphore, #tpu.memory_space<semaphore_mem>>) src(%dma_wait3A_74 : memref<80x128xf32, #tpu.memory_space<hbm>>) dst(%arg9 : memref<80x128xf32, #tpu.memory_space<vmem>>)
      "tpu.region"() ({
        %run_scoped3A = tpu.sem_alloc : memref<!tpu.dma_semaphore, #tpu.memory_space<semaphore_mem>>
        %dma_start3A_82 = arith.constant 0 : i32
        %dma_start3A_83 = arith.constant 0 : i32
        %dma_start3A_84 = tpu.memref_slice %arg7[%dma_start3A_82, %dma_start3A_83] : memref<10240x128xf32, #tpu.memory_space<vmem_shared>> -> memref<10240x128xf32, #tpu.memory_space<vmem_shared>>
        tpu.enqueue_indirect_dma source(%arg9 : memref<80x128xf32, #tpu.memory_space<vmem>>) target(%dma_start3A_84 : memref<10240x128xf32, #tpu.memory_space<vmem_shared>>) offsets(%arg11 : memref<80xi32, #tpu.memory_space<vmem>>) semaphore(%run_scoped3A : memref<!tpu.dma_semaphore, #tpu.memory_space<semaphore_mem>>) {add = true}
        %dma_wait3A_85 = arith.constant 0 : i32
        %dma_wait3A_86 = arith.constant 0 : i32
        %dma_wait3A_87 = tpu.memref_slice %arg7[%dma_wait3A_85, %dma_wait3A_86] : memref<10240x128xf32, #tpu.memory_space<vmem_shared>> -> memref<10240x128xf32, #tpu.memory_space<vmem_shared>>
        tpu.wait_indirect_dma semaphore(%run_scoped3A : memref<!tpu.dma_semaphore, #tpu.memory_space<semaphore_mem>>) src(%arg9 : memref<80x128xf32, #tpu.memory_space<vmem>>) dst(%dma_wait3A_87 : memref<10240x128xf32, #tpu.memory_space<vmem_shared>>)
        tpu.yield
      }) : () -> ()
      %add3A_75 = arith.constant 2 : i32
      %add3A_76 = arith.addi %add3A_64, %add3A_75 : i32
      %lt3A_77 = arith.constant 250 : i32
      %lt3A_78 = arith.cmpi slt, %add3A_76, %lt3A_77 : i32
      %convert_element_type3A_79 = arith.extui %lt3A_78 : i1 to i32
      %cond3A_80 = arith.constant 0 : i32
      %cond3A_81 = arith.cmpi ne, %convert_element_type3A_79, %cond3A_80 : i32
      scf.if %cond3A_81 {
        %add3A_82 = arith.constant 2 : i32
        %add3A_83 = arith.addi %add3A_64, %add3A_82 : i32
        %mul3A_84 = arith.constant 80 : i32
        %mul3A_85 = arith.muli %add3A_83, %mul3A_84 : i32
        %add3A_86 = arith.addi %mul3A_2, %mul3A_85 : i32
        %add3A_87 = arith.addi %mul3A_10, %add3A_86 : i32
        %dma_start3A_88 = tpu.memref_slice %arg2[%add3A_87] : memref<640000xi32, #tpu.memory_space<hbm>> -> memref<80xi32, #tpu.memory_space<hbm>>
        %dma_start3A_89 = tpu.memref_slice %arg2[%add3A_87] : memref<640000xi32, #tpu.memory_space<hbm>> -> memref<80xi32, #tpu.memory_space<hbm>>
        tpu.enqueue_dma source(%dma_start3A_89 : memref<80xi32, #tpu.memory_space<hbm>>) target(%arg11 : memref<80xi32, #tpu.memory_space<vmem>>) target_semaphore(%arg13 : memref<!tpu.dma_semaphore, #tpu.memory_space<semaphore_mem>>)
        %dma_start3A_90 = arith.constant 0 : i32
        %dma_start3A_91 = tpu.memref_slice %arg3[%add3A_86, %dma_start3A_90] : memref<320000x128xf32, #tpu.memory_space<hbm>> -> memref<80x128xf32, #tpu.memory_space<hbm>>
        %dma_start3A_92 = arith.constant 0 : i32
        %dma_start3A_93 = tpu.memref_slice %arg3[%add3A_86, %dma_start3A_92] : memref<320000x128xf32, #tpu.memory_space<hbm>> -> memref<80x128xf32, #tpu.memory_space<hbm>>
        tpu.enqueue_dma source(%dma_start3A_93 : memref<80x128xf32, #tpu.memory_space<hbm>>) target(%arg9 : memref<80x128xf32, #tpu.memory_space<vmem>>) target_semaphore(%arg13 : memref<!tpu.dma_semaphore, #tpu.memory_space<semaphore_mem>>)
      } else {
      }
    }
    %scan3A_32 = arith.constant 125 : i32
    %barrier3A_33 = arith.constant 0 : index
    tpu.barrier barrier_id(%barrier3A_33)
    %eq3A = arith.constant 0 : i32
    %eq3A_34 = arith.cmpi eq, %arg0, %eq3A : i32
    %convert_element_type3A = arith.extui %eq3A_34 : i1 to i32
    %cond3A = arith.constant 0 : i32
    %cond3A_35 = arith.cmpi ne, %convert_element_type3A, %cond3A : i32
    scf.if %cond3A_35 {
      %scan3A_41 = arith.constant 0 : i32
      %scan3A_42 = arith.constant 0 : i32
      %scan3A_43 = arith.constant 8 : i32
      %scan3A_44 = arith.addi %scan3A_42, %scan3A_43 : i32
      %scan3A_45 = arith.constant 1 : i32
      scf.for %scan3A_47 = %scan3A_42 to %scan3A_44 step %scan3A_45  : i32 {
        %mul3A_48 = arith.constant 80 : i32
        %mul3A_49 = arith.muli %scan3A_47, %mul3A_48 : i32
        %add3A_50 = arith.addi %mul3A_0, %mul3A_49 : i32
        "tpu.region"() ({
          %run_scoped3A = tpu.sem_alloc : memref<!tpu.dma_semaphore, #tpu.memory_space<semaphore_mem>>
          %dma_start3A_54 = arith.constant 0 : i32
          %dma_start3A_55 = tpu.memref_slice %arg7[%add3A_50, %dma_start3A_54] : memref<10240x128xf32, #tpu.memory_space<vmem_shared>> -> memref<80x128xf32, #tpu.memory_space<vmem_shared>>
          %dma_start3A_56 = arith.constant 0 : i32
          %dma_start3A_57 = tpu.memref_slice %arg7[%add3A_50, %dma_start3A_56] : memref<10240x128xf32, #tpu.memory_space<vmem_shared>> -> memref<80x128xf32, #tpu.memory_space<vmem_shared>>
          tpu.enqueue_dma source(%dma_start3A_57 : memref<80x128xf32, #tpu.memory_space<vmem_shared>>) target(%arg8 : memref<80x128xf32, #tpu.memory_space<vmem>>) target_semaphore(%run_scoped3A : memref<!tpu.dma_semaphore, #tpu.memory_space<semaphore_mem>>)
          %dma_wait3A = arith.constant 0 : i32
          %dma_wait3A_58 = tpu.memref_slice %arg7[%add3A_50, %dma_wait3A] : memref<10240x128xf32, #tpu.memory_space<vmem_shared>> -> memref<80x128xf32, #tpu.memory_space<vmem_shared>>
          %dma_wait3A_59 = arith.constant 0 : i32
          %dma_wait3A_60 = tpu.memref_slice %arg7[%add3A_50, %dma_wait3A_59] : memref<10240x128xf32, #tpu.memory_space<vmem_shared>> -> memref<80x128xf32, #tpu.memory_space<vmem_shared>>
          tpu.wait_dma2 semaphore(%run_scoped3A : memref<!tpu.dma_semaphore, #tpu.memory_space<semaphore_mem>>) src(%dma_wait3A_60 : memref<80x128xf32, #tpu.memory_space<vmem_shared>>) dst(%arg8 : memref<80x128xf32, #tpu.memory_space<vmem>>)
          tpu.yield
        }) : () -> ()
        %mul3A_51 = arith.constant 80 : i32
        %mul3A_52 = arith.muli %scan3A_47, %mul3A_51 : i32
        %add3A_53 = arith.addi %mul3A_0, %mul3A_52 : i32
        "tpu.region"() ({
          %run_scoped3A = tpu.sem_alloc : memref<!tpu.dma_semaphore, #tpu.memory_space<semaphore_mem>>
          %dma_start3A_54 = arith.constant 0 : i32
          %dma_start3A_55 = tpu.memref_slice %arg5[%add3A_53, %dma_start3A_54] : memref<10240x128xf32, #tpu.memory_space<hbm>> -> memref<80x128xf32, #tpu.memory_space<hbm>>
          %dma_start3A_56 = arith.constant 0 : i32
          %dma_start3A_57 = tpu.memref_slice %arg5[%add3A_53, %dma_start3A_56] : memref<10240x128xf32, #tpu.memory_space<hbm>> -> memref<80x128xf32, #tpu.memory_space<hbm>>
          tpu.enqueue_dma source(%arg8 : memref<80x128xf32, #tpu.memory_space<vmem>>) target(%dma_start3A_57 : memref<80x128xf32, #tpu.memory_space<hbm>>) target_semaphore(%run_scoped3A : memref<!tpu.dma_semaphore, #tpu.memory_space<semaphore_mem>>)
          %dma_wait3A = arith.constant 0 : i32
          %dma_wait3A_58 = tpu.memref_slice %arg5[%add3A_53, %dma_wait3A] : memref<10240x128xf32, #tpu.memory_space<hbm>> -> memref<80x128xf32, #tpu.memory_space<hbm>>
          %dma_wait3A_59 = arith.constant 0 : i32
          %dma_wait3A_60 = tpu.memref_slice %arg5[%add3A_53, %dma_wait3A_59] : memref<10240x128xf32, #tpu.memory_space<hbm>> -> memref<80x128xf32, #tpu.memory_space<hbm>>
          tpu.wait_dma2 semaphore(%run_scoped3A : memref<!tpu.dma_semaphore, #tpu.memory_space<semaphore_mem>>) src(%arg8 : memref<80x128xf32, #tpu.memory_space<vmem>>) dst(%dma_wait3A_60 : memref<80x128xf32, #tpu.memory_space<hbm>>)
          tpu.yield
        }) : () -> ()
      }
      %scan3A_46 = arith.constant 8 : i32
    } else {
    }
    %eq3A_36 = arith.constant 1 : i32
    %eq3A_37 = arith.cmpi eq, %arg0, %eq3A_36 : i32
    %convert_element_type3A_38 = arith.extui %eq3A_37 : i1 to i32
    %cond3A_39 = arith.constant 0 : i32
    %cond3A_40 = arith.cmpi ne, %convert_element_type3A_38, %cond3A_39 : i32
    scf.if %cond3A_40 {
      %scan3A_41 = arith.constant 0 : i32
      %scan3A_42 = arith.constant 0 : i32
      %scan3A_43 = arith.constant 8 : i32
      %scan3A_44 = arith.addi %scan3A_42, %scan3A_43 : i32
      %scan3A_45 = arith.constant 1 : i32
      scf.for %scan3A_47 = %scan3A_42 to %scan3A_44 step %scan3A_45  : i32 {
        %mul3A_48 = arith.constant 80 : i32
        %mul3A_49 = arith.muli %scan3A_47, %mul3A_48 : i32
        %add3A_50 = arith.addi %mul3A_0, %mul3A_49 : i32
        "tpu.region"() ({
          %run_scoped3A = tpu.sem_alloc : memref<!tpu.dma_semaphore, #tpu.memory_space<semaphore_mem>>
          %dma_start3A_54 = arith.constant 0 : i32
          %dma_start3A_55 = tpu.memref_slice %arg7[%add3A_50, %dma_start3A_54] : memref<10240x128xf32, #tpu.memory_space<vmem_shared>> -> memref<80x128xf32, #tpu.memory_space<vmem_shared>>
          %dma_start3A_56 = arith.constant 0 : i32
          %dma_start3A_57 = tpu.memref_slice %arg7[%add3A_50, %dma_start3A_56] : memref<10240x128xf32, #tpu.memory_space<vmem_shared>> -> memref<80x128xf32, #tpu.memory_space<vmem_shared>>
          tpu.enqueue_dma source(%dma_start3A_57 : memref<80x128xf32, #tpu.memory_space<vmem_shared>>) target(%arg8 : memref<80x128xf32, #tpu.memory_space<vmem>>) target_semaphore(%run_scoped3A : memref<!tpu.dma_semaphore, #tpu.memory_space<semaphore_mem>>)
          %dma_wait3A = arith.constant 0 : i32
          %dma_wait3A_58 = tpu.memref_slice %arg7[%add3A_50, %dma_wait3A] : memref<10240x128xf32, #tpu.memory_space<vmem_shared>> -> memref<80x128xf32, #tpu.memory_space<vmem_shared>>
          %dma_wait3A_59 = arith.constant 0 : i32
          %dma_wait3A_60 = tpu.memref_slice %arg7[%add3A_50, %dma_wait3A_59] : memref<10240x128xf32, #tpu.memory_space<vmem_shared>> -> memref<80x128xf32, #tpu.memory_space<vmem_shared>>
          tpu.wait_dma2 semaphore(%run_scoped3A : memref<!tpu.dma_semaphore, #tpu.memory_space<semaphore_mem>>) src(%dma_wait3A_60 : memref<80x128xf32, #tpu.memory_space<vmem_shared>>) dst(%arg8 : memref<80x128xf32, #tpu.memory_space<vmem>>)
          tpu.yield
        }) : () -> ()
        %mul3A_51 = arith.constant 80 : i32
        %mul3A_52 = arith.muli %scan3A_47, %mul3A_51 : i32
        %add3A_53 = arith.addi %mul3A_0, %mul3A_52 : i32
        "tpu.region"() ({
          %run_scoped3A = tpu.sem_alloc : memref<!tpu.dma_semaphore, #tpu.memory_space<semaphore_mem>>
          %dma_start3A_54 = arith.constant 0 : i32
          %dma_start3A_55 = tpu.memref_slice %arg6[%add3A_53, %dma_start3A_54] : memref<10240x128xf32, #tpu.memory_space<hbm>> -> memref<80x128xf32, #tpu.memory_space<hbm>>
          %dma_start3A_56 = arith.constant 0 : i32
          %dma_start3A_57 = tpu.memref_slice %arg6[%add3A_53, %dma_start3A_56] : memref<10240x128xf32, #tpu.memory_space<hbm>> -> memref<80x128xf32, #tpu.memory_space<hbm>>
          tpu.enqueue_dma source(%arg8 : memref<80x128xf32, #tpu.memory_space<vmem>>) target(%dma_start3A_57 : memref<80x128xf32, #tpu.memory_space<hbm>>) target_semaphore(%run_scoped3A : memref<!tpu.dma_semaphore, #tpu.memory_space<semaphore_mem>>)
          %dma_wait3A = arith.constant 0 : i32
          %dma_wait3A_58 = tpu.memref_slice %arg6[%add3A_53, %dma_wait3A] : memref<10240x128xf32, #tpu.memory_space<hbm>> -> memref<80x128xf32, #tpu.memory_space<hbm>>
          %dma_wait3A_59 = arith.constant 0 : i32
          %dma_wait3A_60 = tpu.memref_slice %arg6[%add3A_53, %dma_wait3A_59] : memref<10240x128xf32, #tpu.memory_space<hbm>> -> memref<80x128xf32, #tpu.memory_space<hbm>>
          tpu.wait_dma2 semaphore(%run_scoped3A : memref<!tpu.dma_semaphore, #tpu.memory_space<semaphore_mem>>) src(%arg8 : memref<80x128xf32, #tpu.memory_space<vmem>>) dst(%dma_wait3A_60 : memref<80x128xf32, #tpu.memory_space<hbm>>)
          tpu.yield
        }) : () -> ()
      }
      %scan3A_46 = arith.constant 8 : i32
    } else {
    }
    return
  }
}

#map = affine_map<(d0, d1) -> (0)>
#map1 = affine_map<(d0, d1) -> (0, 0)>
module attributes {stable_mosaic.version = 14 : i64} {
  func.func @_x_body(%arg0: i32, %arg1: i32, %arg2: memref<640000xi32, #tpu.memory_space<hbm>>, %arg3: memref<10000x128xf32, #tpu.memory_space<hbm>>, %arg4: memref<80x128xf32, #tpu.memory_space<hbm>>, %arg5: memref<10240x128xf32, #tpu.memory_space<hbm>>, %arg6: memref<10240x128xf32, #tpu.memory_space<hbm>>, %arg7: memref<10240x128xf32, #tpu.memory_space<vmem_shared>>, %arg8: memref<80x128xf32, #tpu.memory_space<vmem>>, %arg9: memref<80x128xf32, #tpu.memory_space<vmem>>, %arg10: memref<80xi32, #tpu.memory_space<vmem>>, %arg11: memref<80xi32, #tpu.memory_space<vmem>>, %arg12: memref<80xi32, #tpu.memory_space<vmem>>, %arg13: memref<80xi32, #tpu.memory_space<vmem>>, %arg14: memref<!tpu.dma_semaphore, #tpu.memory_space<semaphore_mem>>, %arg15: memref<!tpu.dma_semaphore, #tpu.memory_space<semaphore_mem>>, %arg16: memref<!tpu.dma_semaphore, #tpu.memory_space<semaphore_mem>>, %arg17: memref<!tpu.dma_semaphore, #tpu.memory_space<semaphore_mem>>) attributes {dimension_semantics = [#tpu.dimension_semantics<core_parallel>, #tpu.dimension_semantics<subcore_parallel>], iteration_bounds = array<i64: 2, 16>, scalar_prefetch = 0 : i64, scratch_operands = 11 : i64, tpu.core_type = #tpu.core_type<sc_vector_subcore>, window_params = [{transform_indices = #map}, {transform_indices = #map1}, {transform_indices = #map1}, {transform_indices = #map1}, {transform_indices = #map1}]} {
    %mul3A = arith.constant 640 : i32
    %mul3A_0 = arith.muli %arg1, %mul3A : i32
    %mul3A_1 = arith.constant 20000 : i32
    %mul3A_2 = arith.muli %arg1, %mul3A_1 : i32
    "tpu.region"() ({
      %run_scoped3A = tpu.sem_alloc : memref<!tpu.dma_semaphore, #tpu.memory_space<semaphore_mem>>
      tpu.enqueue_dma source(%arg4 : memref<80x128xf32, #tpu.memory_space<hbm>>) target(%arg8 : memref<80x128xf32, #tpu.memory_space<vmem>>) target_semaphore(%run_scoped3A : memref<!tpu.dma_semaphore, #tpu.memory_space<semaphore_mem>>)
      tpu.wait_dma2 semaphore(%run_scoped3A : memref<!tpu.dma_semaphore, #tpu.memory_space<semaphore_mem>>) src(%arg4 : memref<80x128xf32, #tpu.memory_space<hbm>>) dst(%arg8 : memref<80x128xf32, #tpu.memory_space<vmem>>)
      tpu.yield
    }) : () -> ()
    %scan3A = arith.constant 0 : i32
    %scan3A_3 = arith.constant 0 : i32
    %scan3A_4 = arith.constant 8 : i32
    %scan3A_5 = arith.addi %scan3A_3, %scan3A_4 : i32
    %scan3A_6 = arith.constant 1 : i32
    scf.for %scan3A_51 = %scan3A_3 to %scan3A_5 step %scan3A_6  : i32 {
      %mul3A_52 = arith.constant 80 : i32
      %mul3A_53 = arith.muli %scan3A_51, %mul3A_52 : i32
      %add3A_54 = arith.addi %mul3A_0, %mul3A_53 : i32
      "tpu.region"() ({
        %run_scoped3A = tpu.sem_alloc : memref<!tpu.dma_semaphore, #tpu.memory_space<semaphore_mem>>
        %dma_start3A_55 = arith.constant 0 : i32
        %dma_start3A_56 = tpu.memref_slice %arg7[%add3A_54, %dma_start3A_55] : memref<10240x128xf32, #tpu.memory_space<vmem_shared>> -> memref<80x128xf32, #tpu.memory_space<vmem_shared>>
        %dma_start3A_57 = arith.constant 0 : i32
        %dma_start3A_58 = tpu.memref_slice %arg7[%add3A_54, %dma_start3A_57] : memref<10240x128xf32, #tpu.memory_space<vmem_shared>> -> memref<80x128xf32, #tpu.memory_space<vmem_shared>>
        tpu.enqueue_dma source(%arg8 : memref<80x128xf32, #tpu.memory_space<vmem>>) target(%dma_start3A_58 : memref<80x128xf32, #tpu.memory_space<vmem_shared>>) target_semaphore(%run_scoped3A : memref<!tpu.dma_semaphore, #tpu.memory_space<semaphore_mem>>)
        %dma_wait3A_59 = arith.constant 0 : i32
        %dma_wait3A_60 = tpu.memref_slice %arg7[%add3A_54, %dma_wait3A_59] : memref<10240x128xf32, #tpu.memory_space<vmem_shared>> -> memref<80x128xf32, #tpu.memory_space<vmem_shared>>
        %dma_wait3A_61 = arith.constant 0 : i32
        %dma_wait3A_62 = tpu.memref_slice %arg7[%add3A_54, %dma_wait3A_61] : memref<10240x128xf32, #tpu.memory_space<vmem_shared>> -> memref<80x128xf32, #tpu.memory_space<vmem_shared>>
        tpu.wait_dma2 semaphore(%run_scoped3A : memref<!tpu.dma_semaphore, #tpu.memory_space<semaphore_mem>>) src(%arg8 : memref<80x128xf32, #tpu.memory_space<vmem>>) dst(%dma_wait3A_62 : memref<80x128xf32, #tpu.memory_space<vmem_shared>>)
        tpu.yield
      }) : () -> ()
    }
    %scan3A_7 = arith.constant 8 : i32
    %barrier3A = arith.constant 0 : index
    tpu.barrier barrier_id(%barrier3A)
    %mul3A_8 = arith.constant 320000 : i32
    %mul3A_9 = arith.muli %arg0, %mul3A_8 : i32
    %sub3A = arith.constant 1 : i32
    %sub3A_10 = arith.subi %sub3A, %arg0 : i32
    %mul3A_11 = arith.constant 320000 : i32
    %mul3A_12 = arith.muli %sub3A_10, %mul3A_11 : i32
    %add3A = arith.constant 0 : i32
    %add3A_13 = arith.addi %mul3A_2, %add3A : i32
    %add3A_14 = arith.addi %mul3A_9, %add3A_13 : i32
    %dma_start3A = tpu.memref_slice %arg2[%add3A_14] : memref<640000xi32, #tpu.memory_space<hbm>> -> memref<80xi32, #tpu.memory_space<hbm>>
    %dma_start3A_15 = tpu.memref_slice %arg2[%add3A_14] : memref<640000xi32, #tpu.memory_space<hbm>> -> memref<80xi32, #tpu.memory_space<hbm>>
    tpu.enqueue_dma source(%dma_start3A_15 : memref<80xi32, #tpu.memory_space<hbm>>) target(%arg12 : memref<80xi32, #tpu.memory_space<vmem>>) target_semaphore(%arg14 : memref<!tpu.dma_semaphore, #tpu.memory_space<semaphore_mem>>)
    %add3A_16 = arith.addi %mul3A_12, %add3A_13 : i32
    %dma_start3A_17 = tpu.memref_slice %arg2[%add3A_16] : memref<640000xi32, #tpu.memory_space<hbm>> -> memref<80xi32, #tpu.memory_space<hbm>>
    %dma_start3A_18 = tpu.memref_slice %arg2[%add3A_16] : memref<640000xi32, #tpu.memory_space<hbm>> -> memref<80xi32, #tpu.memory_space<hbm>>
    tpu.enqueue_dma source(%dma_start3A_18 : memref<80xi32, #tpu.memory_space<hbm>>) target(%arg10 : memref<80xi32, #tpu.memory_space<vmem>>) target_semaphore(%arg14 : memref<!tpu.dma_semaphore, #tpu.memory_space<semaphore_mem>>)
    %add3A_19 = arith.constant 80 : i32
    %add3A_20 = arith.addi %mul3A_2, %add3A_19 : i32
    %add3A_21 = arith.addi %mul3A_9, %add3A_20 : i32
    %dma_start3A_22 = tpu.memref_slice %arg2[%add3A_21] : memref<640000xi32, #tpu.memory_space<hbm>> -> memref<80xi32, #tpu.memory_space<hbm>>
    %dma_start3A_23 = tpu.memref_slice %arg2[%add3A_21] : memref<640000xi32, #tpu.memory_space<hbm>> -> memref<80xi32, #tpu.memory_space<hbm>>
    tpu.enqueue_dma source(%dma_start3A_23 : memref<80xi32, #tpu.memory_space<hbm>>) target(%arg13 : memref<80xi32, #tpu.memory_space<vmem>>) target_semaphore(%arg15 : memref<!tpu.dma_semaphore, #tpu.memory_space<semaphore_mem>>)
    %add3A_24 = arith.addi %mul3A_12, %add3A_20 : i32
    %dma_start3A_25 = tpu.memref_slice %arg2[%add3A_24] : memref<640000xi32, #tpu.memory_space<hbm>> -> memref<80xi32, #tpu.memory_space<hbm>>
    %dma_start3A_26 = tpu.memref_slice %arg2[%add3A_24] : memref<640000xi32, #tpu.memory_space<hbm>> -> memref<80xi32, #tpu.memory_space<hbm>>
    tpu.enqueue_dma source(%dma_start3A_26 : memref<80xi32, #tpu.memory_space<hbm>>) target(%arg11 : memref<80xi32, #tpu.memory_space<vmem>>) target_semaphore(%arg15 : memref<!tpu.dma_semaphore, #tpu.memory_space<semaphore_mem>>)
    %dma_wait3A = arith.constant 0 : i32
    %dma_wait3A_27 = tpu.memref_slice %arg2[%dma_wait3A] : memref<640000xi32, #tpu.memory_space<hbm>> -> memref<80xi32, #tpu.memory_space<hbm>>
    %dma_wait3A_28 = arith.constant 0 : i32
    %dma_wait3A_29 = tpu.memref_slice %arg2[%dma_wait3A_28] : memref<640000xi32, #tpu.memory_space<hbm>> -> memref<80xi32, #tpu.memory_space<hbm>>
    tpu.wait_dma2 semaphore(%arg14 : memref<!tpu.dma_semaphore, #tpu.memory_space<semaphore_mem>>) src(%dma_wait3A_29 : memref<80xi32, #tpu.memory_space<hbm>>) dst(%arg12 : memref<80xi32, #tpu.memory_space<vmem>>)
    %dma_wait3A_30 = arith.constant 0 : i32
    %dma_wait3A_31 = tpu.memref_slice %arg2[%dma_wait3A_30] : memref<640000xi32, #tpu.memory_space<hbm>> -> memref<80xi32, #tpu.memory_space<hbm>>
    %dma_wait3A_32 = arith.constant 0 : i32
    %dma_wait3A_33 = tpu.memref_slice %arg2[%dma_wait3A_32] : memref<640000xi32, #tpu.memory_space<hbm>> -> memref<80xi32, #tpu.memory_space<hbm>>
    tpu.wait_dma2 semaphore(%arg14 : memref<!tpu.dma_semaphore, #tpu.memory_space<semaphore_mem>>) src(%dma_wait3A_33 : memref<80xi32, #tpu.memory_space<hbm>>) dst(%arg10 : memref<80xi32, #tpu.memory_space<vmem>>)
    %dma_start3A_34 = arith.constant 0 : i32
    %dma_start3A_35 = arith.constant 0 : i32
    %dma_start3A_36 = tpu.memref_slice %arg3[%dma_start3A_34, %dma_start3A_35] : memref<10000x128xf32, #tpu.memory_space<hbm>> -> memref<10000x128xf32, #tpu.memory_space<hbm>>
    tpu.enqueue_indirect_dma source(%dma_start3A_36 : memref<10000x128xf32, #tpu.memory_space<hbm>>) target(%arg8 : memref<80x128xf32, #tpu.memory_space<vmem>>) offsets(%arg12 : memref<80xi32, #tpu.memory_space<vmem>>) semaphore(%arg16 : memref<!tpu.dma_semaphore, #tpu.memory_space<semaphore_mem>>)
    %scan3A_37 = arith.constant 0 : i32
    %scan3A_38 = arith.constant 0 : i32
    %scan3A_39 = arith.constant 125 : i32
    %scan3A_40 = arith.addi %scan3A_38, %scan3A_39 : i32
    %scan3A_41 = arith.constant 1 : i32
    scf.for %scan3A_51 = %scan3A_38 to %scan3A_40 step %scan3A_41  : i32 {
      %mul3A_52 = arith.constant 2 : i32
      %mul3A_53 = arith.muli %mul3A_52, %scan3A_51 : i32
      %add3A_54 = arith.constant 0 : i32
      %add3A_55 = arith.addi %mul3A_53, %add3A_54 : i32
      %dma_wait3A_56 = arith.constant 0 : i32
      %dma_wait3A_57 = arith.constant 0 : i32
      %dma_wait3A_58 = tpu.memref_slice %arg3[%dma_wait3A_56, %dma_wait3A_57] : memref<10000x128xf32, #tpu.memory_space<hbm>> -> memref<10000x128xf32, #tpu.memory_space<hbm>>
      tpu.wait_indirect_dma semaphore(%arg16 : memref<!tpu.dma_semaphore, #tpu.memory_space<semaphore_mem>>) src(%dma_wait3A_58 : memref<10000x128xf32, #tpu.memory_space<hbm>>) dst(%arg8 : memref<80x128xf32, #tpu.memory_space<vmem>>)
      "tpu.region"() ({
        %run_scoped3A = tpu.sem_alloc : memref<!tpu.dma_semaphore, #tpu.memory_space<semaphore_mem>>
        %dma_start3A_93 = arith.constant 0 : i32
        %dma_start3A_94 = arith.constant 0 : i32
        %dma_start3A_95 = tpu.memref_slice %arg7[%dma_start3A_93, %dma_start3A_94] : memref<10240x128xf32, #tpu.memory_space<vmem_shared>> -> memref<10240x128xf32, #tpu.memory_space<vmem_shared>>
        tpu.enqueue_indirect_dma source(%arg8 : memref<80x128xf32, #tpu.memory_space<vmem>>) target(%dma_start3A_95 : memref<10240x128xf32, #tpu.memory_space<vmem_shared>>) offsets(%arg10 : memref<80xi32, #tpu.memory_space<vmem>>) semaphore(%run_scoped3A : memref<!tpu.dma_semaphore, #tpu.memory_space<semaphore_mem>>) {add = true}
        %dma_wait3A_96 = arith.constant 0 : i32
        %dma_wait3A_97 = arith.constant 0 : i32
        %dma_wait3A_98 = tpu.memref_slice %arg7[%dma_wait3A_96, %dma_wait3A_97] : memref<10240x128xf32, #tpu.memory_space<vmem_shared>> -> memref<10240x128xf32, #tpu.memory_space<vmem_shared>>
        tpu.wait_indirect_dma semaphore(%run_scoped3A : memref<!tpu.dma_semaphore, #tpu.memory_space<semaphore_mem>>) src(%arg8 : memref<80x128xf32, #tpu.memory_space<vmem>>) dst(%dma_wait3A_98 : memref<10240x128xf32, #tpu.memory_space<vmem_shared>>)
        tpu.yield
      }) : () -> ()
      %add3A_59 = arith.constant 2 : i32
      %add3A_60 = arith.addi %add3A_55, %add3A_59 : i32
      %lt3A = arith.constant 250 : i32
      %lt3A_61 = arith.cmpi slt, %add3A_60, %lt3A : i32
      %convert_element_type3A_62 = arith.extui %lt3A_61 : i1 to i32
      %cond3A_63 = arith.constant 0 : i32
      %cond3A_64 = arith.cmpi ne, %convert_element_type3A_62, %cond3A_63 : i32
      scf.if %cond3A_64 {
        %add3A_93 = arith.constant 2 : i32
        %add3A_94 = arith.addi %add3A_55, %add3A_93 : i32
        %mul3A_95 = arith.constant 80 : i32
        %mul3A_96 = arith.muli %add3A_94, %mul3A_95 : i32
        %add3A_97 = arith.addi %mul3A_2, %mul3A_96 : i32
        %add3A_98 = arith.addi %mul3A_9, %add3A_97 : i32
        %dma_start3A_99 = tpu.memref_slice %arg2[%add3A_98] : memref<640000xi32, #tpu.memory_space<hbm>> -> memref<80xi32, #tpu.memory_space<hbm>>
        %dma_start3A_100 = tpu.memref_slice %arg2[%add3A_98] : memref<640000xi32, #tpu.memory_space<hbm>> -> memref<80xi32, #tpu.memory_space<hbm>>
        tpu.enqueue_dma source(%dma_start3A_100 : memref<80xi32, #tpu.memory_space<hbm>>) target(%arg12 : memref<80xi32, #tpu.memory_space<vmem>>) target_semaphore(%arg14 : memref<!tpu.dma_semaphore, #tpu.memory_space<semaphore_mem>>)
        %add3A_101 = arith.addi %mul3A_12, %add3A_97 : i32
        %dma_start3A_102 = tpu.memref_slice %arg2[%add3A_101] : memref<640000xi32, #tpu.memory_space<hbm>> -> memref<80xi32, #tpu.memory_space<hbm>>
        %dma_start3A_103 = tpu.memref_slice %arg2[%add3A_101] : memref<640000xi32, #tpu.memory_space<hbm>> -> memref<80xi32, #tpu.memory_space<hbm>>
        tpu.enqueue_dma source(%dma_start3A_103 : memref<80xi32, #tpu.memory_space<hbm>>) target(%arg10 : memref<80xi32, #tpu.memory_space<vmem>>) target_semaphore(%arg14 : memref<!tpu.dma_semaphore, #tpu.memory_space<semaphore_mem>>)
      } else {
      }
      %add3A_65 = arith.constant 1 : i32
      %add3A_66 = arith.addi %add3A_55, %add3A_65 : i32
      %lt3A_67 = arith.constant 250 : i32
      %lt3A_68 = arith.cmpi slt, %add3A_66, %lt3A_67 : i32
      %convert_element_type3A_69 = arith.extui %lt3A_68 : i1 to i32
      %cond3A_70 = arith.constant 0 : i32
      %cond3A_71 = arith.cmpi ne, %convert_element_type3A_69, %cond3A_70 : i32
      scf.if %cond3A_71 {
        %dma_wait3A_93 = arith.constant 0 : i32
        %dma_wait3A_94 = tpu.memref_slice %arg2[%dma_wait3A_93] : memref<640000xi32, #tpu.memory_space<hbm>> -> memref<80xi32, #tpu.memory_space<hbm>>
        %dma_wait3A_95 = arith.constant 0 : i32
        %dma_wait3A_96 = tpu.memref_slice %arg2[%dma_wait3A_95] : memref<640000xi32, #tpu.memory_space<hbm>> -> memref<80xi32, #tpu.memory_space<hbm>>
        tpu.wait_dma2 semaphore(%arg15 : memref<!tpu.dma_semaphore, #tpu.memory_space<semaphore_mem>>) src(%dma_wait3A_96 : memref<80xi32, #tpu.memory_space<hbm>>) dst(%arg13 : memref<80xi32, #tpu.memory_space<vmem>>)
        %dma_wait3A_97 = arith.constant 0 : i32
        %dma_wait3A_98 = tpu.memref_slice %arg2[%dma_wait3A_97] : memref<640000xi32, #tpu.memory_space<hbm>> -> memref<80xi32, #tpu.memory_space<hbm>>
        %dma_wait3A_99 = arith.constant 0 : i32
        %dma_wait3A_100 = tpu.memref_slice %arg2[%dma_wait3A_99] : memref<640000xi32, #tpu.memory_space<hbm>> -> memref<80xi32, #tpu.memory_space<hbm>>
        tpu.wait_dma2 semaphore(%arg15 : memref<!tpu.dma_semaphore, #tpu.memory_space<semaphore_mem>>) src(%dma_wait3A_100 : memref<80xi32, #tpu.memory_space<hbm>>) dst(%arg11 : memref<80xi32, #tpu.memory_space<vmem>>)
        %dma_start3A_101 = arith.constant 0 : i32
        %dma_start3A_102 = arith.constant 0 : i32
        %dma_start3A_103 = tpu.memref_slice %arg3[%dma_start3A_101, %dma_start3A_102] : memref<10000x128xf32, #tpu.memory_space<hbm>> -> memref<10000x128xf32, #tpu.memory_space<hbm>>
        tpu.enqueue_indirect_dma source(%dma_start3A_103 : memref<10000x128xf32, #tpu.memory_space<hbm>>) target(%arg9 : memref<80x128xf32, #tpu.memory_space<vmem>>) offsets(%arg13 : memref<80xi32, #tpu.memory_space<vmem>>) semaphore(%arg17 : memref<!tpu.dma_semaphore, #tpu.memory_space<semaphore_mem>>)
      } else {
      }
      %mul3A_72 = arith.constant 2 : i32
      %mul3A_73 = arith.muli %mul3A_72, %scan3A_51 : i32
      %add3A_74 = arith.constant 1 : i32
      %add3A_75 = arith.addi %mul3A_73, %add3A_74 : i32
      %dma_wait3A_76 = arith.constant 0 : i32
      %dma_wait3A_77 = arith.constant 0 : i32
      %dma_wait3A_78 = tpu.memref_slice %arg3[%dma_wait3A_76, %dma_wait3A_77] : memref<10000x128xf32, #tpu.memory_space<hbm>> -> memref<10000x128xf32, #tpu.memory_space<hbm>>
      tpu.wait_indirect_dma semaphore(%arg17 : memref<!tpu.dma_semaphore, #tpu.memory_space<semaphore_mem>>) src(%dma_wait3A_78 : memref<10000x128xf32, #tpu.memory_space<hbm>>) dst(%arg9 : memref<80x128xf32, #tpu.memory_space<vmem>>)
      "tpu.region"() ({
        %run_scoped3A = tpu.sem_alloc : memref<!tpu.dma_semaphore, #tpu.memory_space<semaphore_mem>>
        %dma_start3A_93 = arith.constant 0 : i32
        %dma_start3A_94 = arith.constant 0 : i32
        %dma_start3A_95 = tpu.memref_slice %arg7[%dma_start3A_93, %dma_start3A_94] : memref<10240x128xf32, #tpu.memory_space<vmem_shared>> -> memref<10240x128xf32, #tpu.memory_space<vmem_shared>>
        tpu.enqueue_indirect_dma source(%arg9 : memref<80x128xf32, #tpu.memory_space<vmem>>) target(%dma_start3A_95 : memref<10240x128xf32, #tpu.memory_space<vmem_shared>>) offsets(%arg11 : memref<80xi32, #tpu.memory_space<vmem>>) semaphore(%run_scoped3A : memref<!tpu.dma_semaphore, #tpu.memory_space<semaphore_mem>>) {add = true}
        %dma_wait3A_96 = arith.constant 0 : i32
        %dma_wait3A_97 = arith.constant 0 : i32
        %dma_wait3A_98 = tpu.memref_slice %arg7[%dma_wait3A_96, %dma_wait3A_97] : memref<10240x128xf32, #tpu.memory_space<vmem_shared>> -> memref<10240x128xf32, #tpu.memory_space<vmem_shared>>
        tpu.wait_indirect_dma semaphore(%run_scoped3A : memref<!tpu.dma_semaphore, #tpu.memory_space<semaphore_mem>>) src(%arg9 : memref<80x128xf32, #tpu.memory_space<vmem>>) dst(%dma_wait3A_98 : memref<10240x128xf32, #tpu.memory_space<vmem_shared>>)
        tpu.yield
      }) : () -> ()
      %add3A_79 = arith.constant 2 : i32
      %add3A_80 = arith.addi %add3A_75, %add3A_79 : i32
      %lt3A_81 = arith.constant 250 : i32
      %lt3A_82 = arith.cmpi slt, %add3A_80, %lt3A_81 : i32
      %convert_element_type3A_83 = arith.extui %lt3A_82 : i1 to i32
      %cond3A_84 = arith.constant 0 : i32
      %cond3A_85 = arith.cmpi ne, %convert_element_type3A_83, %cond3A_84 : i32
      scf.if %cond3A_85 {
        %add3A_93 = arith.constant 2 : i32
        %add3A_94 = arith.addi %add3A_75, %add3A_93 : i32
        %mul3A_95 = arith.constant 80 : i32
        %mul3A_96 = arith.muli %add3A_94, %mul3A_95 : i32
        %add3A_97 = arith.addi %mul3A_2, %mul3A_96 : i32
        %add3A_98 = arith.addi %mul3A_9, %add3A_97 : i32
        %dma_start3A_99 = tpu.memref_slice %arg2[%add3A_98] : memref<640000xi32, #tpu.memory_space<hbm>> -> memref<80xi32, #tpu.memory_space<hbm>>
        %dma_start3A_100 = tpu.memref_slice %arg2[%add3A_98] : memref<640000xi32, #tpu.memory_space<hbm>> -> memref<80xi32, #tpu.memory_space<hbm>>
        tpu.enqueue_dma source(%dma_start3A_100 : memref<80xi32, #tpu.memory_space<hbm>>) target(%arg13 : memref<80xi32, #tpu.memory_space<vmem>>) target_semaphore(%arg15 : memref<!tpu.dma_semaphore, #tpu.memory_space<semaphore_mem>>)
        %add3A_101 = arith.addi %mul3A_12, %add3A_97 : i32
        %dma_start3A_102 = tpu.memref_slice %arg2[%add3A_101] : memref<640000xi32, #tpu.memory_space<hbm>> -> memref<80xi32, #tpu.memory_space<hbm>>
        %dma_start3A_103 = tpu.memref_slice %arg2[%add3A_101] : memref<640000xi32, #tpu.memory_space<hbm>> -> memref<80xi32, #tpu.memory_space<hbm>>
        tpu.enqueue_dma source(%dma_start3A_103 : memref<80xi32, #tpu.memory_space<hbm>>) target(%arg11 : memref<80xi32, #tpu.memory_space<vmem>>) target_semaphore(%arg15 : memref<!tpu.dma_semaphore, #tpu.memory_space<semaphore_mem>>)
      } else {
      }
      %add3A_86 = arith.constant 1 : i32
      %add3A_87 = arith.addi %add3A_75, %add3A_86 : i32
      %lt3A_88 = arith.constant 250 : i32
      %lt3A_89 = arith.cmpi slt, %add3A_87, %lt3A_88 : i32
      %convert_element_type3A_90 = arith.extui %lt3A_89 : i1 to i32
      %cond3A_91 = arith.constant 0 : i32
      %cond3A_92 = arith.cmpi ne, %convert_element_type3A_90, %cond3A_91 : i32
      scf.if %cond3A_92 {
        %dma_wait3A_93 = arith.constant 0 : i32
        %dma_wait3A_94 = tpu.memref_slice %arg2[%dma_wait3A_93] : memref<640000xi32, #tpu.memory_space<hbm>> -> memref<80xi32, #tpu.memory_space<hbm>>
        %dma_wait3A_95 = arith.constant 0 : i32
        %dma_wait3A_96 = tpu.memref_slice %arg2[%dma_wait3A_95] : memref<640000xi32, #tpu.memory_space<hbm>> -> memref<80xi32, #tpu.memory_space<hbm>>
        tpu.wait_dma2 semaphore(%arg14 : memref<!tpu.dma_semaphore, #tpu.memory_space<semaphore_mem>>) src(%dma_wait3A_96 : memref<80xi32, #tpu.memory_space<hbm>>) dst(%arg12 : memref<80xi32, #tpu.memory_space<vmem>>)
        %dma_wait3A_97 = arith.constant 0 : i32
        %dma_wait3A_98 = tpu.memref_slice %arg2[%dma_wait3A_97] : memref<640000xi32, #tpu.memory_space<hbm>> -> memref<80xi32, #tpu.memory_space<hbm>>
        %dma_wait3A_99 = arith.constant 0 : i32
        %dma_wait3A_100 = tpu.memref_slice %arg2[%dma_wait3A_99] : memref<640000xi32, #tpu.memory_space<hbm>> -> memref<80xi32, #tpu.memory_space<hbm>>
        tpu.wait_dma2 semaphore(%arg14 : memref<!tpu.dma_semaphore, #tpu.memory_space<semaphore_mem>>) src(%dma_wait3A_100 : memref<80xi32, #tpu.memory_space<hbm>>) dst(%arg10 : memref<80xi32, #tpu.memory_space<vmem>>)
        %dma_start3A_101 = arith.constant 0 : i32
        %dma_start3A_102 = arith.constant 0 : i32
        %dma_start3A_103 = tpu.memref_slice %arg3[%dma_start3A_101, %dma_start3A_102] : memref<10000x128xf32, #tpu.memory_space<hbm>> -> memref<10000x128xf32, #tpu.memory_space<hbm>>
        tpu.enqueue_indirect_dma source(%dma_start3A_103 : memref<10000x128xf32, #tpu.memory_space<hbm>>) target(%arg8 : memref<80x128xf32, #tpu.memory_space<vmem>>) offsets(%arg12 : memref<80xi32, #tpu.memory_space<vmem>>) semaphore(%arg16 : memref<!tpu.dma_semaphore, #tpu.memory_space<semaphore_mem>>)
      } else {
      }
    }
    %scan3A_42 = arith.constant 125 : i32
    %barrier3A_43 = arith.constant 0 : index
    tpu.barrier barrier_id(%barrier3A_43)
    %eq3A = arith.constant 0 : i32
    %eq3A_44 = arith.cmpi eq, %arg0, %eq3A : i32
    %convert_element_type3A = arith.extui %eq3A_44 : i1 to i32
    %cond3A = arith.constant 0 : i32
    %cond3A_45 = arith.cmpi ne, %convert_element_type3A, %cond3A : i32
    scf.if %cond3A_45 {
      %scan3A_51 = arith.constant 0 : i32
      %scan3A_52 = arith.constant 0 : i32
      %scan3A_53 = arith.constant 8 : i32
      %scan3A_54 = arith.addi %scan3A_52, %scan3A_53 : i32
      %scan3A_55 = arith.constant 1 : i32
      scf.for %scan3A_57 = %scan3A_52 to %scan3A_54 step %scan3A_55  : i32 {
        %mul3A_58 = arith.constant 80 : i32
        %mul3A_59 = arith.muli %scan3A_57, %mul3A_58 : i32
        %add3A_60 = arith.addi %mul3A_0, %mul3A_59 : i32
        "tpu.region"() ({
          %run_scoped3A = tpu.sem_alloc : memref<!tpu.dma_semaphore, #tpu.memory_space<semaphore_mem>>
          %dma_start3A_64 = arith.constant 0 : i32
          %dma_start3A_65 = tpu.memref_slice %arg7[%add3A_60, %dma_start3A_64] : memref<10240x128xf32, #tpu.memory_space<vmem_shared>> -> memref<80x128xf32, #tpu.memory_space<vmem_shared>>
          %dma_start3A_66 = arith.constant 0 : i32
          %dma_start3A_67 = tpu.memref_slice %arg7[%add3A_60, %dma_start3A_66] : memref<10240x128xf32, #tpu.memory_space<vmem_shared>> -> memref<80x128xf32, #tpu.memory_space<vmem_shared>>
          tpu.enqueue_dma source(%dma_start3A_67 : memref<80x128xf32, #tpu.memory_space<vmem_shared>>) target(%arg8 : memref<80x128xf32, #tpu.memory_space<vmem>>) target_semaphore(%run_scoped3A : memref<!tpu.dma_semaphore, #tpu.memory_space<semaphore_mem>>)
          %dma_wait3A_68 = arith.constant 0 : i32
          %dma_wait3A_69 = tpu.memref_slice %arg7[%add3A_60, %dma_wait3A_68] : memref<10240x128xf32, #tpu.memory_space<vmem_shared>> -> memref<80x128xf32, #tpu.memory_space<vmem_shared>>
          %dma_wait3A_70 = arith.constant 0 : i32
          %dma_wait3A_71 = tpu.memref_slice %arg7[%add3A_60, %dma_wait3A_70] : memref<10240x128xf32, #tpu.memory_space<vmem_shared>> -> memref<80x128xf32, #tpu.memory_space<vmem_shared>>
          tpu.wait_dma2 semaphore(%run_scoped3A : memref<!tpu.dma_semaphore, #tpu.memory_space<semaphore_mem>>) src(%dma_wait3A_71 : memref<80x128xf32, #tpu.memory_space<vmem_shared>>) dst(%arg8 : memref<80x128xf32, #tpu.memory_space<vmem>>)
          tpu.yield
        }) : () -> ()
        %mul3A_61 = arith.constant 80 : i32
        %mul3A_62 = arith.muli %scan3A_57, %mul3A_61 : i32
        %add3A_63 = arith.addi %mul3A_0, %mul3A_62 : i32
        "tpu.region"() ({
          %run_scoped3A = tpu.sem_alloc : memref<!tpu.dma_semaphore, #tpu.memory_space<semaphore_mem>>
          %dma_start3A_64 = arith.constant 0 : i32
          %dma_start3A_65 = tpu.memref_slice %arg5[%add3A_63, %dma_start3A_64] : memref<10240x128xf32, #tpu.memory_space<hbm>> -> memref<80x128xf32, #tpu.memory_space<hbm>>
          %dma_start3A_66 = arith.constant 0 : i32
          %dma_start3A_67 = tpu.memref_slice %arg5[%add3A_63, %dma_start3A_66] : memref<10240x128xf32, #tpu.memory_space<hbm>> -> memref<80x128xf32, #tpu.memory_space<hbm>>
          tpu.enqueue_dma source(%arg8 : memref<80x128xf32, #tpu.memory_space<vmem>>) target(%dma_start3A_67 : memref<80x128xf32, #tpu.memory_space<hbm>>) target_semaphore(%run_scoped3A : memref<!tpu.dma_semaphore, #tpu.memory_space<semaphore_mem>>)
          %dma_wait3A_68 = arith.constant 0 : i32
          %dma_wait3A_69 = tpu.memref_slice %arg5[%add3A_63, %dma_wait3A_68] : memref<10240x128xf32, #tpu.memory_space<hbm>> -> memref<80x128xf32, #tpu.memory_space<hbm>>
          %dma_wait3A_70 = arith.constant 0 : i32
          %dma_wait3A_71 = tpu.memref_slice %arg5[%add3A_63, %dma_wait3A_70] : memref<10240x128xf32, #tpu.memory_space<hbm>> -> memref<80x128xf32, #tpu.memory_space<hbm>>
          tpu.wait_dma2 semaphore(%run_scoped3A : memref<!tpu.dma_semaphore, #tpu.memory_space<semaphore_mem>>) src(%arg8 : memref<80x128xf32, #tpu.memory_space<vmem>>) dst(%dma_wait3A_71 : memref<80x128xf32, #tpu.memory_space<hbm>>)
          tpu.yield
        }) : () -> ()
      }
      %scan3A_56 = arith.constant 8 : i32
    } else {
    }
    %eq3A_46 = arith.constant 1 : i32
    %eq3A_47 = arith.cmpi eq, %arg0, %eq3A_46 : i32
    %convert_element_type3A_48 = arith.extui %eq3A_47 : i1 to i32
    %cond3A_49 = arith.constant 0 : i32
    %cond3A_50 = arith.cmpi ne, %convert_element_type3A_48, %cond3A_49 : i32
    scf.if %cond3A_50 {
      %scan3A_51 = arith.constant 0 : i32
      %scan3A_52 = arith.constant 0 : i32
      %scan3A_53 = arith.constant 8 : i32
      %scan3A_54 = arith.addi %scan3A_52, %scan3A_53 : i32
      %scan3A_55 = arith.constant 1 : i32
      scf.for %scan3A_57 = %scan3A_52 to %scan3A_54 step %scan3A_55  : i32 {
        %mul3A_58 = arith.constant 80 : i32
        %mul3A_59 = arith.muli %scan3A_57, %mul3A_58 : i32
        %add3A_60 = arith.addi %mul3A_0, %mul3A_59 : i32
        "tpu.region"() ({
          %run_scoped3A = tpu.sem_alloc : memref<!tpu.dma_semaphore, #tpu.memory_space<semaphore_mem>>
          %dma_start3A_64 = arith.constant 0 : i32
          %dma_start3A_65 = tpu.memref_slice %arg7[%add3A_60, %dma_start3A_64] : memref<10240x128xf32, #tpu.memory_space<vmem_shared>> -> memref<80x128xf32, #tpu.memory_space<vmem_shared>>
          %dma_start3A_66 = arith.constant 0 : i32
          %dma_start3A_67 = tpu.memref_slice %arg7[%add3A_60, %dma_start3A_66] : memref<10240x128xf32, #tpu.memory_space<vmem_shared>> -> memref<80x128xf32, #tpu.memory_space<vmem_shared>>
          tpu.enqueue_dma source(%dma_start3A_67 : memref<80x128xf32, #tpu.memory_space<vmem_shared>>) target(%arg8 : memref<80x128xf32, #tpu.memory_space<vmem>>) target_semaphore(%run_scoped3A : memref<!tpu.dma_semaphore, #tpu.memory_space<semaphore_mem>>)
          %dma_wait3A_68 = arith.constant 0 : i32
          %dma_wait3A_69 = tpu.memref_slice %arg7[%add3A_60, %dma_wait3A_68] : memref<10240x128xf32, #tpu.memory_space<vmem_shared>> -> memref<80x128xf32, #tpu.memory_space<vmem_shared>>
          %dma_wait3A_70 = arith.constant 0 : i32
          %dma_wait3A_71 = tpu.memref_slice %arg7[%add3A_60, %dma_wait3A_70] : memref<10240x128xf32, #tpu.memory_space<vmem_shared>> -> memref<80x128xf32, #tpu.memory_space<vmem_shared>>
          tpu.wait_dma2 semaphore(%run_scoped3A : memref<!tpu.dma_semaphore, #tpu.memory_space<semaphore_mem>>) src(%dma_wait3A_71 : memref<80x128xf32, #tpu.memory_space<vmem_shared>>) dst(%arg8 : memref<80x128xf32, #tpu.memory_space<vmem>>)
          tpu.yield
        }) : () -> ()
        %mul3A_61 = arith.constant 80 : i32
        %mul3A_62 = arith.muli %scan3A_57, %mul3A_61 : i32
        %add3A_63 = arith.addi %mul3A_0, %mul3A_62 : i32
        "tpu.region"() ({
          %run_scoped3A = tpu.sem_alloc : memref<!tpu.dma_semaphore, #tpu.memory_space<semaphore_mem>>
          %dma_start3A_64 = arith.constant 0 : i32
          %dma_start3A_65 = tpu.memref_slice %arg6[%add3A_63, %dma_start3A_64] : memref<10240x128xf32, #tpu.memory_space<hbm>> -> memref<80x128xf32, #tpu.memory_space<hbm>>
          %dma_start3A_66 = arith.constant 0 : i32
          %dma_start3A_67 = tpu.memref_slice %arg6[%add3A_63, %dma_start3A_66] : memref<10240x128xf32, #tpu.memory_space<hbm>> -> memref<80x128xf32, #tpu.memory_space<hbm>>
          tpu.enqueue_dma source(%arg8 : memref<80x128xf32, #tpu.memory_space<vmem>>) target(%dma_start3A_67 : memref<80x128xf32, #tpu.memory_space<hbm>>) target_semaphore(%run_scoped3A : memref<!tpu.dma_semaphore, #tpu.memory_space<semaphore_mem>>)
          %dma_wait3A_68 = arith.constant 0 : i32
          %dma_wait3A_69 = tpu.memref_slice %arg6[%add3A_63, %dma_wait3A_68] : memref<10240x128xf32, #tpu.memory_space<hbm>> -> memref<80x128xf32, #tpu.memory_space<hbm>>
          %dma_wait3A_70 = arith.constant 0 : i32
          %dma_wait3A_71 = tpu.memref_slice %arg6[%add3A_63, %dma_wait3A_70] : memref<10240x128xf32, #tpu.memory_space<hbm>> -> memref<80x128xf32, #tpu.memory_space<hbm>>
          tpu.wait_dma2 semaphore(%run_scoped3A : memref<!tpu.dma_semaphore, #tpu.memory_space<semaphore_mem>>) src(%arg8 : memref<80x128xf32, #tpu.memory_space<vmem>>) dst(%dma_wait3A_71 : memref<80x128xf32, #tpu.memory_space<hbm>>)
          tpu.yield
        }) : () -> ()
      }
      %scan3A_56 = arith.constant 8 : i32
    } else {
    }
    return
  }
}

module attributes {stable_mosaic.version = 14 : i64} {
  func.func @_tc_combine_body(%arg0: i32, %arg1: memref<2000x128xf32, #tpu.memory_space<vmem>>, %arg2: memref<2000x128xf32, #tpu.memory_space<vmem>>, %arg3: memref<2000x128xf32, #tpu.memory_space<vmem>>, %arg4: memref<2000x128xf32, #tpu.memory_space<vmem>>, %arg5: memref<2000x128xf32, #tpu.memory_space<vmem>>, %arg6: memref<2000x128xf32, #tpu.memory_space<vmem>>, %arg7: memref<2000x128xf32, #tpu.memory_space<vmem>>, %arg8: memref<7x128x128xf32, #tpu.memory_space<vmem>>, %arg9: memref<2x128xf32, #tpu.memory_space<vmem>>, %arg10: memref<2000x128xf32, #tpu.memory_space<vmem>>) attributes {dimension_semantics = [#tpu.dimension_semantics<arbitrary>], iteration_bounds = array<i64: 5>, scalar_prefetch = 0 : i64, scratch_operands = 0 : i64, tpu.core_type = #tpu.core_type<tc>, window_params = [{transform_indices = @transform_0, window_bounds = array<i64: 2000, 128>}, {transform_indices = @transform_1, window_bounds = array<i64: 2000, 128>}, {transform_indices = @transform_2, window_bounds = array<i64: 2000, 128>}, {transform_indices = @transform_3, window_bounds = array<i64: 2000, 128>}, {transform_indices = @transform_4, window_bounds = array<i64: 2000, 128>}, {transform_indices = @transform_5, window_bounds = array<i64: 2000, 128>}, {transform_indices = @transform_6, window_bounds = array<i64: 2000, 128>}, {pipeline_mode = #tpu.pipeline_mode<synchronous>, transform_indices = @transform_7, window_bounds = array<i64: 7, 128, 128>}, {pipeline_mode = #tpu.pipeline_mode<synchronous>, transform_indices = @transform_8, window_bounds = array<i64: 2, 128>}, {transform_indices = @transform_9, window_bounds = array<i64: 2000, 128>}]} {
    %get3A = arith.constant 0 : index
    %get3A_0 = arith.constant 0 : index
    %get3A_1 = vector.load %arg1[%get3A, %get3A_0] : memref<2000x128xf32, #tpu.memory_space<vmem>>, vector<2000x128xf32>
    %get3A_2 = arith.constant 0 : index
    %get3A_3 = arith.constant 0 : index
    %get3A_4 = vector.load %arg2[%get3A_2, %get3A_3] : memref<2000x128xf32, #tpu.memory_space<vmem>>, vector<2000x128xf32>
    %get3A_5 = arith.constant 0 : index
    %get3A_6 = arith.constant 0 : index
    %get3A_7 = arith.constant 0 : index
    %get3A_8 = vector.load %arg8[%get3A_5, %get3A_6, %get3A_7] : memref<7x128x128xf32, #tpu.memory_space<vmem>>, vector<1x128x128xf32>
    %get3A_9 = vector.shape_cast %get3A_8 : vector<1x128x128xf32> to vector<128x128xf32>
    %dot_general3A = arith.constant dense<0.000000e+00> : vector<2000x128xf32>
    %dot_general3A_10 = tpu.matmul %get3A_4, %get3A_9, %dot_general3A {dimension_numbers = #tpu.dot_dimension_numbers<[1], [0], [0], [1], [0, 0, 1, 1], [], []>, transpose_lhs_hint = false} : vector<2000x128xf32>, vector<128x128xf32>, vector<2000x128xf32> -> vector<2000x128xf32>
    %get3A_11 = arith.constant 0 : index
    %get3A_12 = arith.constant 0 : index
    %get3A_13 = vector.load %arg3[%get3A_11, %get3A_12] : memref<2000x128xf32, #tpu.memory_space<vmem>>, vector<2000x128xf32>
    %get3A_14 = arith.constant 1 : index
    %get3A_15 = arith.constant 0 : index
    %get3A_16 = arith.constant 0 : index
    %get3A_17 = vector.load %arg8[%get3A_14, %get3A_15, %get3A_16] : memref<7x128x128xf32, #tpu.memory_space<vmem>>, vector<1x128x128xf32>
    %get3A_18 = vector.shape_cast %get3A_17 : vector<1x128x128xf32> to vector<128x128xf32>
    %dot_general3A_19 = arith.constant dense<0.000000e+00> : vector<2000x128xf32>
    %dot_general3A_20 = tpu.matmul %get3A_13, %get3A_18, %dot_general3A_19 {dimension_numbers = #tpu.dot_dimension_numbers<[1], [0], [0], [1], [0, 0, 1, 1], [], []>, transpose_lhs_hint = false} : vector<2000x128xf32>, vector<128x128xf32>, vector<2000x128xf32> -> vector<2000x128xf32>
    %add3A = arith.addf %dot_general3A_10, %dot_general3A_20 : vector<2000x128xf32>
    %get3A_21 = arith.constant 0 : index
    %get3A_22 = arith.constant 0 : index
    %get3A_23 = vector.load %arg4[%get3A_21, %get3A_22] : memref<2000x128xf32, #tpu.memory_space<vmem>>, vector<2000x128xf32>
    %get3A_24 = arith.constant 2 : index
    %get3A_25 = arith.constant 0 : index
    %get3A_26 = arith.constant 0 : index
    %get3A_27 = vector.load %arg8[%get3A_24, %get3A_25, %get3A_26] : memref<7x128x128xf32, #tpu.memory_space<vmem>>, vector<1x128x128xf32>
    %get3A_28 = vector.shape_cast %get3A_27 : vector<1x128x128xf32> to vector<128x128xf32>
    %dot_general3A_29 = arith.constant dense<0.000000e+00> : vector<2000x128xf32>
    %dot_general3A_30 = tpu.matmul %get3A_23, %get3A_28, %dot_general3A_29 {dimension_numbers = #tpu.dot_dimension_numbers<[1], [0], [0], [1], [0, 0, 1, 1], [], []>, transpose_lhs_hint = false} : vector<2000x128xf32>, vector<128x128xf32>, vector<2000x128xf32> -> vector<2000x128xf32>
    %add3A_31 = arith.addf %add3A, %dot_general3A_30 : vector<2000x128xf32>
    %get3A_32 = arith.constant 0 : index
    %get3A_33 = arith.constant 0 : index
    %get3A_34 = vector.load %arg5[%get3A_32, %get3A_33] : memref<2000x128xf32, #tpu.memory_space<vmem>>, vector<2000x128xf32>
    %get3A_35 = arith.constant 3 : index
    %get3A_36 = arith.constant 0 : index
    %get3A_37 = arith.constant 0 : index
    %get3A_38 = vector.load %arg8[%get3A_35, %get3A_36, %get3A_37] : memref<7x128x128xf32, #tpu.memory_space<vmem>>, vector<1x128x128xf32>
    %get3A_39 = vector.shape_cast %get3A_38 : vector<1x128x128xf32> to vector<128x128xf32>
    %dot_general3A_40 = arith.constant dense<0.000000e+00> : vector<2000x128xf32>
    %dot_general3A_41 = tpu.matmul %get3A_34, %get3A_39, %dot_general3A_40 {dimension_numbers = #tpu.dot_dimension_numbers<[1], [0], [0], [1], [0, 0, 1, 1], [], []>, transpose_lhs_hint = false} : vector<2000x128xf32>, vector<128x128xf32>, vector<2000x128xf32> -> vector<2000x128xf32>
    %add3A_42 = arith.addf %add3A_31, %dot_general3A_41 : vector<2000x128xf32>
    %get3A_43 = arith.constant 4 : index
    %get3A_44 = arith.constant 0 : index
    %get3A_45 = arith.constant 0 : index
    %get3A_46 = vector.load %arg8[%get3A_43, %get3A_44, %get3A_45] : memref<7x128x128xf32, #tpu.memory_space<vmem>>, vector<1x128x128xf32>
    %get3A_47 = vector.shape_cast %get3A_46 : vector<1x128x128xf32> to vector<128x128xf32>
    %dot_general3A_48 = arith.constant dense<0.000000e+00> : vector<2000x128xf32>
    %dot_general3A_49 = tpu.matmul %get3A_1, %get3A_47, %dot_general3A_48 {dimension_numbers = #tpu.dot_dimension_numbers<[1], [0], [0], [1], [0, 0, 1, 1], [], []>, transpose_lhs_hint = false} : vector<2000x128xf32>, vector<128x128xf32>, vector<2000x128xf32> -> vector<2000x128xf32>
    %get3A_50 = arith.constant 0 : index
    %get3A_51 = arith.constant 0 : index
    %get3A_52 = vector.load %arg9[%get3A_50, %get3A_51] : memref<2x128xf32, #tpu.memory_space<vmem>>, vector<1x128xf32>
    %get3A_53 = vector.shape_cast %get3A_52 : vector<1x128xf32> to vector<128xf32>
    %broadcast_in_dim3A = vector.shape_cast %get3A_53 : vector<128xf32> to vector<1x128xf32>
    %add3A_54 = vector.broadcast %broadcast_in_dim3A : vector<1x128xf32> to vector<2000x128xf32>
    %add3A_55 = arith.addf %dot_general3A_49, %add3A_54 : vector<2000x128xf32>
    %get3A_56 = arith.constant 5 : index
    %get3A_57 = arith.constant 0 : index
    %get3A_58 = arith.constant 0 : index
    %get3A_59 = vector.load %arg8[%get3A_56, %get3A_57, %get3A_58] : memref<7x128x128xf32, #tpu.memory_space<vmem>>, vector<1x128x128xf32>
    %get3A_60 = vector.shape_cast %get3A_59 : vector<1x128x128xf32> to vector<128x128xf32>
    %dot_general3A_61 = arith.constant dense<0.000000e+00> : vector<2000x128xf32>
    %dot_general3A_62 = tpu.matmul %get3A_1, %get3A_60, %dot_general3A_61 {dimension_numbers = #tpu.dot_dimension_numbers<[1], [0], [0], [1], [0, 0, 1, 1], [], []>, transpose_lhs_hint = false} : vector<2000x128xf32>, vector<128x128xf32>, vector<2000x128xf32> -> vector<2000x128xf32>
    %get3A_63 = arith.constant 1 : index
    %get3A_64 = arith.constant 0 : index
    %get3A_65 = vector.load %arg9[%get3A_63, %get3A_64] : memref<2x128xf32, #tpu.memory_space<vmem>>, vector<1x128xf32>
    %get3A_66 = vector.shape_cast %get3A_65 : vector<1x128xf32> to vector<128xf32>
    %broadcast_in_dim3A_67 = vector.shape_cast %get3A_66 : vector<128xf32> to vector<1x128xf32>
    %add3A_68 = vector.broadcast %broadcast_in_dim3A_67 : vector<1x128xf32> to vector<2000x128xf32>
    %add3A_69 = arith.addf %dot_general3A_62, %add3A_68 : vector<2000x128xf32>
    %get3A_70 = arith.constant 0 : index
    %get3A_71 = arith.constant 0 : index
    %get3A_72 = vector.load %arg6[%get3A_70, %get3A_71] : memref<2000x128xf32, #tpu.memory_space<vmem>>, vector<2000x1xf32>
    %mul3A = vector.broadcast %get3A_72 : vector<2000x1xf32> to vector<2000x128xf32>
    %mul3A_73 = arith.mulf %mul3A, %add3A_55 : vector<2000x128xf32>
    %get3A_74 = arith.constant 0 : index
    %get3A_75 = arith.constant 0 : index
    %get3A_76 = vector.load %arg7[%get3A_74, %get3A_75] : memref<2000x128xf32, #tpu.memory_space<vmem>>, vector<2000x1xf32>
    %mul3A_77 = vector.broadcast %get3A_76 : vector<2000x1xf32> to vector<2000x128xf32>
    %mul3A_78 = arith.mulf %mul3A_77, %add3A_69 : vector<2000x128xf32>
    %add3A_79 = arith.addf %mul3A_73, %mul3A_78 : vector<2000x128xf32>
    %add3A_80 = arith.addf %add3A_42, %add3A_79 : vector<2000x128xf32>
    %get3A_81 = arith.constant 6 : index
    %get3A_82 = arith.constant 0 : index
    %get3A_83 = arith.constant 0 : index
    %get3A_84 = vector.load %arg8[%get3A_81, %get3A_82, %get3A_83] : memref<7x128x128xf32, #tpu.memory_space<vmem>>, vector<1x128x128xf32>
    %get3A_85 = vector.shape_cast %get3A_84 : vector<1x128x128xf32> to vector<128x128xf32>
    %dot_general3A_86 = arith.constant dense<0.000000e+00> : vector<2000x128xf32>
    %dot_general3A_87 = tpu.matmul %get3A_1, %get3A_85, %dot_general3A_86 {dimension_numbers = #tpu.dot_dimension_numbers<[1], [0], [0], [1], [0, 0, 1, 1], [], []>, transpose_lhs_hint = false} : vector<2000x128xf32>, vector<128x128xf32>, vector<2000x128xf32> -> vector<2000x128xf32>
    %add3A_88 = arith.addf %add3A_80, %dot_general3A_87 : vector<2000x128xf32>
    %swap3A = arith.constant 0 : index
    %swap3A_89 = arith.constant 0 : index
    %swap3A_90 = vector.load %arg10[%swap3A, %swap3A_89] : memref<2000x128xf32, #tpu.memory_space<vmem>>, vector<2000x128xf32>
    tpu.vector_store %arg10[%swap3A, %swap3A_89], %add3A_88 {strides = array<i32>} : memref<2000x128xf32, #tpu.memory_space<vmem>>, vector<2000x128xf32>,
    return
  }
  func.func @transform_0(%arg0: i32) -> (i32, i32) {
    %c0_i32 = arith.constant 0 : i32
    %c0_i32_0 = arith.constant 0 : i32
    return %arg0, %c0_i32 : i32, i32
  }
  func.func @transform_1(%arg0: i32) -> (i32, i32) {
    %c0_i32 = arith.constant 0 : i32
    %c0_i32_0 = arith.constant 0 : i32
    return %arg0, %c0_i32 : i32, i32
  }
  func.func @transform_2(%arg0: i32) -> (i32, i32) {
    %c0_i32 = arith.constant 0 : i32
    %c0_i32_0 = arith.constant 0 : i32
    return %arg0, %c0_i32 : i32, i32
  }
  func.func @transform_3(%arg0: i32) -> (i32, i32) {
    %c0_i32 = arith.constant 0 : i32
    %c0_i32_0 = arith.constant 0 : i32
    return %arg0, %c0_i32 : i32, i32
  }
  func.func @transform_4(%arg0: i32) -> (i32, i32) {
    %c0_i32 = arith.constant 0 : i32
    %c0_i32_0 = arith.constant 0 : i32
    return %arg0, %c0_i32 : i32, i32
  }
  func.func @transform_5(%arg0: i32) -> (i32, i32) {
    %c0_i32 = arith.constant 0 : i32
    %c0_i32_0 = arith.constant 0 : i32
    return %arg0, %c0_i32 : i32, i32
  }
  func.func @transform_6(%arg0: i32) -> (i32, i32) {
    %c0_i32 = arith.constant 0 : i32
    %c0_i32_0 = arith.constant 0 : i32
    return %arg0, %c0_i32 : i32, i32
  }
  func.func @transform_7(%arg0: i32) -> (i32, i32, i32) {
    %c0_i32 = arith.constant 0 : i32
    %c0_i32_0 = arith.constant 0 : i32
    %c0_i32_1 = arith.constant 0 : i32
    %c0_i32_2 = arith.constant 0 : i32
    return %c0_i32, %c0_i32_0, %c0_i32_1 : i32, i32, i32
  }
  func.func @transform_8(%arg0: i32) -> (i32, i32) {
    %c0_i32 = arith.constant 0 : i32
    %c0_i32_0 = arith.constant 0 : i32
    %c0_i32_1 = arith.constant 0 : i32
    return %c0_i32, %c0_i32_0 : i32, i32
  }
  func.func @transform_9(%arg0: i32) -> (i32, i32) {
    %c0_i32 = arith.constant 0 : i32
    %c0_i32_0 = arith.constant 0 : i32
    return %arg0, %c0_i32 : i32, i32
  }
}

</mosaic_0001>

<sc_bundles>
// kernel: kernel.12.cloned.1.call-start
scs
__scs_entry_jumppad:
0x0: {  	(pc) =	sbr.rel $0x88, $3  }
0x1: {  	(tag) =	ssettag $0x0;
	lr =	simm.s32 $0x1  }
0x2: {  	[smem:$0x3F96] =	sst lr;
	_ =	strace $0xD0000000  }
0x3: {  	_ = 	snop  }
0x4: {  	_ = 	snop  }
0x5: {  	_ = 	snop  }
0x6: {  	_ = 	snop  }
0x7: {  	_ = 	snop  }
__scs_overlays_trampoline_lowered:
0x8: {  	[smem:$0x3FA5] =	sst s0  }
0x9: {  	[smem:$0x3FA6] =	sst s1  }
0xa: {  	[smem:$0x3FA7] =	sst s2  }
0xb: {  	[smem:$0x3FA8] =	sst s3  }
0xc: {  	[smem:$0x3FA9] =	sst s4  }
0xd: {  	[smem:$0x3FAA] =	sst s5  }
0xe: {  	[smem:$0x3FAB] =	sst s6  }
0xf: {  	[smem:$0x3FAC] =	sst s7  }
0x10: {  	[smem:$0x3FAD] =	sst s8  }
0x11: {  	[smem:$0x3FAE] =	sst s9;
	s0 =	simm.s32 @!p0 $0x0  }
0x12: {  	s1 =	sld [smem:$0x3F94];
	s0 =	simm.s32 @p0 $0x1  }
0x13: {  	[smem:$0x3FAF] =	sst s0;
	s0 =	simm.s32 @!p1 $0x0  }
0x14: {  	s2 =	sld [smem:$0x3F93];
	s0 =	simm.s32 @p1 $0x1  }
0x15: {  	[smem:$0x3FB0] =	sst s0;
	s0 =	simm.s32 @!p2 $0x0  }
0x16: {  	s3 =	sld [smem:$0x3FDB];
	s0 =	simm.s32 @p2 $0x1  }
0x17: {  	s4 =	simm.s32 $0x1BF5;
	[smem:$0x3FB2] =	sst s0  }
0x18: {  	s0 =	sld [smem:$0x3F95];
	_ =	swait.ge [sflag:s4], $0x0  }
0x19: {  	s7 =	sld [smem:$0x3F96]  }
0x1a: {  	s8 =	sadd.s32 $0xFFFFE003, lr  }
0x1b: {  	s9 =	sadd.s32 $0xFFFFFEF7, lr;
	s5 =	simm.s32 $0xFFFFFFFF;
	p2 =	slt.u32 s8, $0xFFFFF086  }
0x1c: {  	p1 =	slt.u32 s9, $0xF7A;
	s5 =	simm.s32 @!p2 $0x0  }
0x1d: {  	s5 =	simm.s32 @p1 $0x1;
	p0 =	seq.s32 s7, s2  }
0x1e: {  	s7 =	smul.u32 @!p0 $0xF7A, s2;
	p2 =	seq.s32 @!p0 s5, $0x0  }
0x1f: {  	s9 =	smul.u32 $0xF7A, s1;
	s8 =	simm.s32 @!p0 $0x1BF5;
	p2 =	por !p2, p0  }
0x20: {  	[sflag:s8] =	ssyncset.s32 @!p0 $0xFFFFF086;
	s6 =	sadd.s32 @!p0 s3, s7;
	s7 =	simm.s32 @!p0 $0x108  }
0x21: {  	s3 =	sadd.s32 s3, s9;
	s6 =	sadd.s32 @!p0 $0x88, s6;
	s7 =	simm.s32 @p2 $0x1082  }
0x22: {  	[simem:s7], [sflag:s8] =	dma.local @!p0 [hbm:s6], $0xF7A  }
0x23: {  	s9 =	sor.u32 $0xD0000000, s2;
	s6 =	simm.s32 $0x108;
	_ =	swait.ge @!p0 [sflag:s8], $0x0  }
0x24: {  	s3 =	sadd.s32 $0x88, s3;
	s6 =	simm.s32 @!p1 $0x1082;
	[sflag:s4] =	ssyncset.s32 $0xFFFFF086  }
0x25: {  	[simem:s6], [sflag:s4] =	dma.local [hbm:s3], $0xF7A  }
0x26: {  	[smem:$0x3F96] =	sst s1;
	(tag) =	ssettag s2;
	_ =	strace s9  }
0x27: {  	s1 =	sld [smem:$0x3FA6]  }
0x28: {  	s2 =	sld [smem:$0x3FA7]  }
0x29: {  	s4 =	sld [smem:$0x3FA9]  }
0x2a: {  	p0 =	seq.s32 s5, $0x0;
	s5 =	sld [smem:$0x3FAA]  }
0x2b: {  	s6 =	sld [smem:$0x3FAB]  }
0x2c: {  	s7 =	sld [smem:$0x3FAC]  }
0x2d: {  	s3 =	simm.s32 $0x108;
	s8 =	sld [smem:$0x3FAD]  }
0x2e: {  	s3 =	simm.s32 @!p0 $0x1082;
	s9 =	sld [smem:$0x3FAE]  }
0x2f: {  	lr =	sadd.s32 s0, s3;
	s0 =	sld [smem:$0x3FA5]  }
0x30: {  	s3 =	sld [smem:$0x3FA8]  }
0x31: {  	[smem:$0x3FB1] =	sst s10  }
0x32: {  	s10 =	sld [smem:$0x3FAF];
	_ =	sdelay $0x3  }
0x33: {  	p0 =	seq.s32 s10, $0x1;
	s10 =	sld [smem:$0x3FB1];
	_ =	sdelay $0x3  }
0x34: {  	[smem:$0x3FB1] =	sst s10  }
0x35: {  	s10 =	sld [smem:$0x3FB0];
	_ =	sdelay $0x3  }
0x36: {  	p1 =	seq.s32 s10, $0x1;
	s10 =	sld [smem:$0x3FB1];
	_ =	sdelay $0x3  }
0x37: {  	[smem:$0x3FB1] =	sst s10  }
0x38: {  	s10 =	sld [smem:$0x3FB2]  }
0x39: {  	_ = 	snop;
	(pc) =	sbr.ind lr, $3  }
0x3a: {  	_ = 	snop  }
0x3b: {  	_ = 	snop  }
0x3c: {  	p2 =	seq.s32 s10, $0x1;
	s10 =	sld [smem:$0x3FB1]  }
0x3d: {  	_ =	shalt  }
0x3e: {  	_ =	shalt  }
0x3f: {  	_ =	shalt  }
0x40: {  	_ =	shalt  }
0x41: {  	_ =	shalt  }
0x42: {  	_ =	shalt  }
0x43: {  	_ =	shalt  }
0x44: {  	_ =	shalt  }
0x45: {  	_ =	shalt  }
0x46: {  	_ =	shalt  }
0x47: {  	_ =	shalt  }
0x48: {  	_ =	shalt  }
0x49: {  	_ =	shalt  }
0x4a: {  	_ =	shalt  }
0x4b: {  	_ =	shalt  }
0x4c: {  	_ =	shalt  }
0x4d: {  	_ =	shalt  }
0x4e: {  	_ =	shalt  }
0x4f: {  	_ =	shalt  }
0x50: {  	_ =	shalt  }
0x51: {  	_ =	shalt  }
0x52: {  	_ =	shalt  }
0x53: {  	_ =	shalt  }
0x54: {  	_ =	shalt  }
0x55: {  	_ =	shalt  }
0x56: {  	_ =	shalt  }
0x57: {  	_ =	shalt  }
0x58: {  	_ =	shalt  }
0x59: {  	_ =	shalt  }
0x5a: {  	_ =	shalt  }
0x5b: {  	_ =	shalt  }
0x5c: {  	_ =	shalt  }
0x5d: {  	_ =	shalt  }
0x5e: {  	_ =	shalt  }
0x5f: {  	_ =	shalt  }
0x60: {  	_ =	shalt  }
0x61: {  	_ =	shalt  }
0x62: {  	_ =	shalt  }
0x63: {  	_ =	shalt  }
0x64: {  	_ =	shalt  }
0x65: {  	_ =	shalt  }
0x66: {  	_ =	shalt  }
0x67: {  	_ =	shalt  }
0x68: {  	_ =	shalt  }
0x69: {  	_ =	shalt  }
0x6a: {  	_ =	shalt  }
0x6b: {  	_ =	shalt  }
0x6c: {  	_ =	shalt  }
0x6d: {  	_ =	shalt  }
0x6e: {  	_ =	shalt  }
0x6f: {  	_ =	shalt  }
0x70: {  	_ =	shalt  }
0x71: {  	_ =	shalt  }
0x72: {  	_ =	shalt  }
0x73: {  	_ =	shalt  }
0x74: {  	_ =	shalt  }
0x75: {  	_ =	shalt  }
0x76: {  	_ =	shalt  }
0x77: {  	_ =	shalt  }
0x78: {  	_ =	shalt  }
0x79: {  	_ =	shalt  }
0x7a: {  	_ =	shalt  }
0x7b: {  	_ =	shalt  }
0x7c: {  	_ =	shalt  }
0x7d: {  	_ =	shalt  }
0x7e: {  	_ =	shalt  }
0x7f: {  	_ =	shalt  }
0x80: {  	_ =	shalt  }
0x81: {  	_ =	shalt  }
0x82: {  	_ =	shalt  }
0x83: {  	_ =	shalt  }
0x84: {  	_ =	shalt  }
0x85: {  	_ =	shalt  }
0x86: {  	_ =	shalt  }
0x87: {  	_ =	shalt  }
.Lfunc_end0:
.L_simem_size_0:
called_computation.2_lowered:
.L_overlay_start_0:
0x88: {  	s2 =	sld [smem:$0x3FD9]  }
0x89: {  	s3 =	sld [smem:$0x3FFE];
	_ =	sdelay $0x1  }
0x8a: {  	s1 =	srdreg.scid  }
0x8b: {  	s0 =	sand.u32 $0x1, s1  }
0x8c: {  	s14 =	sshll.u32 s0, $0xA;
	s2 =	sadd.s32 s3, s2  }
0x8d: {  	s2 =	sadd.s32 s2, s14  }
0x8e: {  	[smem:$0x3FBD] =	sst s2  }
0x8f: {  	_ = 	snop  }
0x90: {  	s2 =	sld [smem:$0x3FD0];
	_ =	sdelay $0x2  }
0x91: {  	s15 =	simm.s32 $0xC;
	s4 =	simm.s32 $0x10  }
0x92: {  	[smem:s4], [sflag:s15] =	dma.local [hbm:s2], $0x1  }
0x93: {  	_ =	swait.eq [sflag:s15], $0x1  }
0x94: {  	[sflag:s15] =	ssyncset.done $0x0  }
0x95: {  	[sflag:s15] =	ssyncadd.s32 $0xFFFFFFFF  }
0x96: {  	s16 =	sld [smem:$0x10];
	(tm) =	ssettm $0x1  }
0x97: {  	s17 =	sld [smem:$0x3FFB];
	_ =	sdelay $0x3  }
0x98: {  	_ =	strace s17  }
0x99: {  	s3 =	sld [smem:$0x3FFC];
	_ =	sdelay $0x3  }
0x9a: {  	_ =	strace s3  }
0x9b: {  	s3 =	sld [smem:$0x3FFD];
	_ =	sdelay $0x3  }
0x9c: {  	_ =	strace s3  }
0x9d: {  	_ =	strace $0x8FFFFFFF  }
0x9e: {  	s18 =	sld [smem:$0x3FDB];
	_ =	sdelay $0x1  }
0x9f: {  	s19 =	simm.s32 $_scs_section_size  }
0xa0: {  	s5 =	simm.s32 $_size__tile_overlayer_lowered;
	s6 =	simm.s32 $_tile_overlayer_lowered  }
0xa1: {  	s22 =	simm.s32 $0x1BFF;
	s21 =	sshll.u32 s6, $0x1;
	s3 =	sadd.s32 s19, s18  }
0xa2: {  	s7 =	simm.s32 $0x0;
	s20 =	sshll.u32 s5, $0x1;
	s5 =	sadd.s32 s21, s3  }
0xa3: {  	[timem:s7], [sflag:s22] =	dma.local [hbm:s5], s20  }
0xa4: {  	_ =	swait.ge [sflag:s22], s20  }
0xa5: {  	s4 =	ssub.s32 $0x0, s20;
	[sflag:s22] =	ssyncset.done $0x0  }
0xa6: {  	[sflag:s22] =	ssyncadd.s32 s4;
	_ =	sdelay $0x1  }
0xa7: {  	s23 =	simm.s32 $0x1B8B  }
0xa8: {  	_ =	swait.ge [sflag:s23], $0x1  }
0xa9: {  	[sflag:s23] =	ssyncset.done $0x0  }
0xaa: {  	s25 =	simm.s32 $0x1B8E;
	s24 =	sld [smem:$0x3FFE];
	[sflag:s23] =	ssyncadd.s32 $0xFFFFFFFF  }
0xab: {  	s26 =	simm.s32 $execute0_lowered;
	[smem:$0x3FD2] =	sst s25  }
0xac: {  	s5 =	sshll.u32 s26, $0x1;
	_ =	strace $0x80000046;
	[dreg:$0x1] =	wrdreg $0xFFFFFFFF  }
0xad: {  	s28 =	simm.s32 $_size_execute0_lowered;
	s3 =	sadd.s32 s3, s5;
	[dreg:$0x0] =	wrdreg $0x0  }
0xae: {  	s5 =	sshll.u32 s28, $0x1;
	[dreg:$0x2] =	wrdreg s3  }
0xaf: {  	[dreg:$0x3] =	wrdreg s5  }
0xb0: {  	[dreg:$0x4] =	wrdreg $0xC0  }
0xb1: {  	_ =	task [dreg:s7], $0x5FFFF  }
0xb2: {  	[dreg:$0x1] =	wrdreg $0xFFFFFFFF  }
0xb3: {  	[dreg:$0x0] =	wrdreg $0x60  }
0xb4: {  	[dreg:$0x2] =	wrdreg s16  }
0xb5: {  	[dreg:$0x3] =	wrdreg s24  }
0xb6: {  	[dreg:$0x4] =	wrdreg $0x0  }
0xb7: {  	[dreg:$0x5] =	wrdreg $0xB  }
0xb8: {  	_ =	task.clear_ibuf [dreg:s7], $0x6FFFF;
	_ =	strace $0x90000046  }
0xb9: {  	s29 =	simm.s32 $0xB;
	_ =	strace $0x80000048  }
0xba: {  	_ =	swait.ge [sflag:s29], $0x1  }
0xbb: {  	[sflag:s29] =	ssyncadd.s32 $0xFFFFFFFF  }
0xbc: {  	_ =	strace $0x90000048  }
0xbd: {  	_ =	sfence  }
0xbe: {  	s30 =	sld [smem:$0x0];
	_ =	sdelay $0x2  }
0xbf: {  	s31 =	sshll.u32 s1, $0xD;
	s1 =	sshrl.u32 s1, $0x2  }
0xc0: {  	s3 =	sand.u32 $0x4000, s31;
	s1 =	sadd.s32 s1, s30  }
0xc1: {  	s0 =	sor.u32 s3, s0;
	s1 =	sshll.u32 s1, $0x11  }
0xc2: {  	s0 =	sor.u32 s1, s0  }
0xc3: {  	s0 =	sadd.s32 $0x8F2B, s0  }
0xc4: {  	[sflag:s0] =	ssyncadd.remote.s32 $0x1  }
0xc5: {  	_ =	sfence.sel $0xFFFF  }
0xc6: {  	[dreg:$0x0] =	wrdreg $0xFFFFFFFF;
	(pc) =	sbr.abs _section_cstart, $3  }
0xc7: {  	[dreg:$0x1] =	wrdreg $0xFFFFFFFF  }
0xc8: {  	_ =	task.clear_ibuf [dreg:s7], $0x2FFFF;
	_ =	strace $0x9FFFFFFF  }
0xc9: {  	(tm) =	ssettm $0x7FFFFFFF  }
tec
execute0_lowered:
.L_overlay_start_1:
0x0: {  	(tag) =	ssettag $0x1  }
0x1: {  	s1 =	rddreg [dreg:$0x0]  }
0x2: {  	s0 =	rddreg [dreg:$0x1]  }
0x3: {  	s3 =	rddreg [dreg:$0x2];
	s2 =	srdreg.scid  }
0x4: {  	s22 =	stileid.u32;
	s4 =	simm.s32 $0x0;
	s16 =	simm.s32 $0x2C200  }
0x5: {  	s29 =	simm.s32 $0x16800;
	s30 =	simm.s32 $0x3;
	s5 =	smul.u32 $0x4E20, s22  }
0x6: {  	s31 =	simm.s32 $0x14000;
	s2 =	sand.u32 $0x1, s2;
	s9 =	smul.u32 $0x280, s22  }
0x7: {  	[smem:$0x7FF] =	sst s4;
	s7 =	sadd.s32 $0x3C00, s0;
	s26 =	smul.u32 $0x50000, s22  }
0x8: {  	s6 =	sxor.u32 $0x1, s2;
	_ =	strace $0x80000047;
	[dreg:$0x4] =	wrdreg s7  }
0x9: {  	s12 =	ssub.s32 $0x2, s2;
	p0 =	seq.s32 s2, $0x1;
	s6 =	smul.u32 $0x4E200, s6  }
0xa: {  	s8 =	sshrl.u32 s12, $0x1;
	s2 =	sor.u32 $0x50, s9;
	s10 =	sadd.s32 $0xF0, s9  }
0xb: {  	s11 =	sadd.s32 $0x140, s9;
	s20 =	sadd.s32 $0x190, s9;
	s23 =	sadd.s32 $0x1E0, s9  }
0xc: {  	s16 =	simm.s32 @!p0 $0x4200;
	s13 =	sshll.u32 s2, $0x4;
	s15 =	sshll.u32 s10, $0x4  }
0xd: {  	s17 =	sshll.u32 s11, $0x4;
	s18 =	sshll.u32 s20, $0x4;
	s19 =	sshll.u32 s23, $0x4  }
0xe: {  	s16 =	sadd.s32 s16, s0;
	s2 =	sshll.u32 s2, $0x7;
	s23 =	sshll.u32 s23, $0x7  }
0xf: {  	s5 =	sadd.s32 s5, s6;
	s6 =	ssub.s32 s12, s8;
	s8 =	sadd.s32 $0xA0, s9  }
0x10: {  	s9 =	sadd.s32 $0x230, s9;
	s12 =	smul.u32 $0x2800, s22;
	s13 =	sadd.s32 s16, s13  }
0x11: {  	s15 =	sadd.s32 s16, s15;
	s17 =	sadd.s32 s16, s17;
	s24 =	sadd.s32 s16, s18  }
0x12: {  	s25 =	sadd.s32 s16, s19;
	s18 =	sadd.s32 s2, s3;
	[dreg:$0x6] =	wrdreg s13  }
0x13: {  	s22 =	sshll.u32 s20, $0x7;
	s23 =	sadd.s32 s23, s3;
	[dreg:$0x8] =	wrdreg s15  }
0x14: {  	s2 =	simm.s32 $0x19080;
	s7 =	sshrl.u32 s5, $0x3;
	[dreg:$0x9] =	wrdreg s17  }
0x15: {  	s14 =	sshll.u32 s8, $0x4;
	s21 =	sshll.u32 s9, $0x4;
	[dreg:$0xa] =	wrdreg s24  }
0x16: {  	[dreg:$0xb] =	wrdreg s25;
	s8 =	sshll.u32 s8, $0x7;
	s22 =	sadd.s32 s22, s3  }
0x17: {  	s24 =	sshll.u32 s9, $0x7;
	s25 =	sadd.s32 $0xF0, s5;
	s12 =	sadd.s32 s16, s12  }
0x18: {  	s14 =	sadd.s32 s16, s14;
	s13 =	sadd.s32 s16, s21;
	s15 =	sadd.s32 s1, s7  }
0x19: {  	s16 =	smax.u32 s6, $0x1;
	s7 =	sshrl.u32 s26, $0x2;
	s19 =	sadd.s32 s8, s3  }
0x1a: {  	s21 =	sshll.u32 s11, $0x7;
	s24 =	sadd.s32 s24, s3;
	s26 =	sshrl.u32 s25, $0x3  }
0x1b: {  	s6 =	simm.s32 $0x50;
	s8 =	simm.s32 $0x0;
	[dreg:$0x5] =	wrdreg s12  }
0x1c: {  	[dreg:$0x7] =	wrdreg s14;
	s14 =	sadd.s32 $0x3600, s0;
	s17 =	sadd.s32 s7, s3  }
0x1d: {  	s12 =	sshll.u32 s10, $0x7;
	s21 =	sadd.s32 s21, s3;
	s25 =	sadd.s32 s26, s1  }
0x1e: {  	s26 =	sadd.s32 $0xA0, s5;
	s28 =	sadd.s32 $0xA, s15;
	s0 =	simm.s32 $0x19000  }
0x1f: {  	s5 =	simm.s32 $0x1;
	s7 =	simm.s32 $0x2;
	s20 =	sadd.s32 s12, s3  }
.LBB2_1:
0x20: {  	[tilespmem:s29], [sflag:$0x3] =	stream.linear.gather [hbm4b:s14+s4], $0x2800, $0x38;
	[tilespmem:$0x19100] =	vst v63  }
0x21: {  	_ =	swait.ge [sflag:s30], $0x2800  }
0x22: {  	[sflag:s30] =	ssyncset.done $0x0  }
0x23: {  	[sflag:s30] =	ssyncadd.s32 $0xFFFFD800  }
0x24: {  	[spmem:s17] =	stream.linear.scatter [tilespmem:s29], [sflag:$0x3], $0x2800, $0x38;
	[tilespmem:$0x19100] =	vst v63  }
0x25: {  	_ =	swait.ge [sflag:s30], $0x2800  }
0x26: {  	[sflag:s30] =	ssyncset.done $0x0  }
0x27: {  	[sflag:s30] =	ssyncadd.s32 $0xFFFFD800  }
0x28: {  	[spmem:s18] =	stream.linear.scatter [tilespmem:s29], [sflag:$0x3], $0x2800, $0x38;
	[tilespmem:$0x19100] =	vst v63  }
0x29: {  	_ =	swait.ge [sflag:s30], $0x2800  }
0x2a: {  	[sflag:s30] =	ssyncset.done $0x0  }
0x2b: {  	[sflag:s30] =	ssyncadd.s32 $0xFFFFD800  }
0x2c: {  	[spmem:s19] =	stream.linear.scatter [tilespmem:s29], [sflag:$0x3], $0x2800, $0x38;
	[tilespmem:$0x19100] =	vst v63  }
0x2d: {  	_ =	swait.ge [sflag:s30], $0x2800  }
0x2e: {  	[sflag:s30] =	ssyncset.done $0x0  }
0x2f: {  	[sflag:s30] =	ssyncadd.s32 $0xFFFFD800  }
0x30: {  	[spmem:s20] =	stream.linear.scatter [tilespmem:s29], [sflag:$0x3], $0x2800, $0x38;
	[tilespmem:$0x19100] =	vst v63  }
0x31: {  	_ =	swait.ge [sflag:s30], $0x2800  }
0x32: {  	[sflag:s30] =	ssyncset.done $0x0  }
0x33: {  	[sflag:s30] =	ssyncadd.s32 $0xFFFFD800  }
0x34: {  	[spmem:s21] =	stream.linear.scatter [tilespmem:s29], [sflag:$0x3], $0x2800, $0x38;
	[tilespmem:$0x19100] =	vst v63  }
0x35: {  	_ =	swait.ge [sflag:s30], $0x2800  }
0x36: {  	[sflag:s30] =	ssyncset.done $0x0  }
0x37: {  	[sflag:s30] =	ssyncadd.s32 $0xFFFFD800  }
0x38: {  	[spmem:s22] =	stream.linear.scatter [tilespmem:s29], [sflag:$0x3], $0x2800, $0x38;
	[tilespmem:$0x19100] =	vst v63  }
0x39: {  	_ =	swait.ge [sflag:s30], $0x2800  }
0x3a: {  	[sflag:s30] =	ssyncset.done $0x0  }
0x3b: {  	[sflag:s30] =	ssyncadd.s32 $0xFFFFD800  }
0x3c: {  	[spmem:s23] =	stream.linear.scatter [tilespmem:s29], [sflag:$0x3], $0x2800, $0x38;
	[tilespmem:$0x19100] =	vst v63  }
0x3d: {  	_ =	swait.ge [sflag:s30], $0x2800  }
0x3e: {  	[sflag:s30] =	ssyncset.done $0x0  }
0x3f: {  	[sflag:s30] =	ssyncadd.s32 $0xFFFFD800  }
0x40: {  	[spmem:s24] =	stream.linear.scatter [tilespmem:s29], [sflag:$0x3], $0x2800, $0x38;
	[tilespmem:$0x19100] =	vst v63  }
0x41: {  	_ =	swait.ge [sflag:s30], $0x2800  }
0x42: {  	[sflag:s30] =	ssyncset.done $0x0  }
0x43: {  	s9 =	rddreg [dreg:$0x4];
	[sflag:s30] =	ssyncadd.s32 $0xFFFFD800  }
0x44: {  	[tilespmem:s31], [sflag:$0x3] =	stream.linear.gather [hbm4b:s9+s4], $0x2800, $0x38;
	[tilespmem:$0x19100] =	vst v63  }
0x45: {  	_ =	swait.ge [sflag:s30], $0x2800  }
0x46: {  	[sflag:s30] =	ssyncset.done $0x0  }
0x47: {  	[sflag:s30] =	ssyncadd.s32 $0xFFFFD800  }
0x48: {  	[bflag:$0x0] =	sbarrier.arrive $0xFFFF  }
0x49: {  	[tilespmem:s0], [sflag:$0x1] =	stream.linear.gather [hbm4b:s15+s4], $0x50, $0x38;
	[tilespmem:$0x19100] =	vst v63  }
0x4a: {  	_ = 	snop  }
0x4b: {  	[tilespmem:s2], [sflag:$0x2] =	stream.linear.gather [hbm4b:s28+s4], $0x50, $0x38;
	[tilespmem:$0x19100] =	vst v63  }
0x4c: {  	_ =	swait.ge [sflag:s5], $0x50  }
0x4d: {  	[sflag:s5] =	ssyncset.done $0x0  }
0x4e: {  	[sflag:s5] =	ssyncadd.s32 $0xFFFFFFB0  }
0x4f: {  	[spmem:s3] =	stream.indirect.scatter.add.f32 [tilespmem:s31], [sflag:$0x3], $0x80, s0, s6, $0xb8;
	[tilespmem:$0x19100] =	vst v63  }
0x50: {  	_ =	swait.ge [sflag:s30], $0x2800  }
0x51: {  	s12 =	sshrl.u32 s26, $0x3;
	[sflag:s30] =	ssyncset.done $0x0  }
0x52: {  	s9 =	sadd.s32 s1, s12;
	[sflag:s30] =	ssyncadd.s32 $0xFFFFD800  }
0x53: {  	[tilespmem:s0], [sflag:$0x1] =	stream.linear.gather [hbm4b:s9+s4], $0x50, $0x38;
	[tilespmem:$0x19100] =	vst v63  }
0x54: {  	_ =	swait.ge [sflag:s7], $0x50  }
0x55: {  	[sflag:s7] =	ssyncset.done $0x0  }
0x56: {  	[sflag:s7] =	ssyncadd.s32 $0xFFFFFFB0  }
0x57: {  	[spmem:s3] =	stream.indirect.scatter.add.f32 [tilespmem:s31], [sflag:$0x3], $0x80, s2, s6, $0xb8;
	[tilespmem:$0x19100] =	vst v63  }
0x58: {  	_ =	swait.ge [sflag:s30], $0x2800  }
0x59: {  	s11 =	sadd.s32 $0x0, s25;
	[sflag:s30] =	ssyncset.done $0x0  }
0x5a: {  	s10 =	sadd.s32 $0xA0, s26;
	s9 =	simm.s32 $0x14;
	[sflag:s30] =	ssyncadd.s32 $0xFFFFD800  }
.LBB2_2:
0x5b: {  	[tilespmem:s2], [sflag:$0x2] =	stream.linear.gather [hbm4b:s11+s4], $0x50, $0x38;
	[tilespmem:$0x19100] =	vst v63  }
0x5c: {  	s11 =	smov.u32 s9  }
0x5d: {  	p0 =	sne.s32 s9, $0x99C;
	s9 =	sadd.s32 $0x14, s9;
	_ =	swait.ge [sflag:s5], $0x50  }
0x5e: {  	[sflag:s5] =	ssyncset.done $0x0  }
0x5f: {  	[sflag:s5] =	ssyncadd.s32 $0xFFFFFFB0  }
0x60: {  	[spmem:s3] =	stream.indirect.scatter.add.f32 [tilespmem:s31], [sflag:$0x3], $0x80, s0, s6, $0xb8;
	[tilespmem:$0x19100] =	vst v63  }
0x61: {  	_ =	swait.ge [sflag:s30], $0x2800  }
0x62: {  	s12 =	sshrl.u32 s10, $0x3;
	[sflag:s30] =	ssyncset.done $0x0  }
0x63: {  	s12 =	sadd.s32 s1, s12;
	[sflag:s30] =	ssyncadd.s32 $0xFFFFD800  }
0x64: {  	[tilespmem:s0], [sflag:$0x1] =	stream.linear.gather [hbm4b:s12+s4], $0x50, $0x38;
	[tilespmem:$0x19100] =	vst v63  }
0x65: {  	_ =	swait.ge [sflag:s7], $0x50  }
0x66: {  	[sflag:s7] =	ssyncset.done $0x0  }
.Ltmp0:
0x67: {  	[sflag:s7] =	ssyncadd.s32 $0xFFFFFFB0;
	(pc) =	sbr.rel @p0 .LBB2_2-.Ltmp0, $4  }
0x68: {  	[spmem:s3] =	stream.indirect.scatter.add.f32 [tilespmem:s31], [sflag:$0x3], $0x80, s2, s6, $0xb8;
	[tilespmem:$0x19100] =	vst v63  }
0x69: {  	_ =	swait.ge [sflag:s30], $0x2800  }
0x6a: {  	[sflag:s30] =	ssyncset.done $0x0  }
0x6b: {  	s10 =	sadd.s32 $0xA0, s10;
	s11 =	sadd.s32 s11, s25;
	[sflag:s30] =	ssyncadd.s32 $0xFFFFD800  }
0x6c: {  	[tilespmem:s2], [sflag:$0x2] =	stream.linear.gather [hbm4b:s11+s4], $0x50, $0x38;
	[tilespmem:$0x19100] =	vst v63  }
0x6d: {  	_ =	swait.ge [sflag:s5], $0x50  }
0x6e: {  	[sflag:s5] =	ssyncset.done $0x0  }
0x6f: {  	[sflag:s5] =	ssyncadd.s32 $0xFFFFFFB0  }
0x70: {  	[spmem:s3] =	stream.indirect.scatter.add.f32 [tilespmem:s31], [sflag:$0x3], $0x80, s0, s6, $0xb8;
	[tilespmem:$0x19100] =	vst v63  }
0x71: {  	_ =	swait.ge [sflag:s30], $0x2800  }
0x72: {  	[sflag:s30] =	ssyncset.done $0x0  }
0x73: {  	[sflag:s30] =	ssyncadd.s32 $0xFFFFD800  }
0x74: {  	_ =	swait.ge [sflag:s7], $0x50  }
0x75: {  	[sflag:s7] =	ssyncset.done $0x0  }
0x76: {  	[sflag:s7] =	ssyncadd.s32 $0xFFFFFFB0  }
0x77: {  	[spmem:s3] =	stream.indirect.scatter.add.f32 [tilespmem:s31], [sflag:$0x3], $0x80, s2, s6, $0xb8;
	[tilespmem:$0x19100] =	vst v63  }
0x78: {  	_ =	swait.ge [sflag:s30], $0x2800  }
0x79: {  	[sflag:s30] =	ssyncset.done $0x0  }
0x7a: {  	[sflag:s30] =	ssyncadd.s32 $0xFFFFD800  }
0x7b: {  	[bflag:$0x0] =	sbarrier.arrive $0xFFFF  }
0x7c: {  	[tilespmem:s29], [sflag:$0x3] =	stream.linear.gather [spmem:s17], $0x2800, $0x38;
	[tilespmem:$0x19100] =	vst v63  }
0x7d: {  	_ =	swait.ge [sflag:s30], $0x2800  }
0x7e: {  	[sflag:s30] =	ssyncset.done $0x0  }
0x7f: {  	s9 =	rddreg [dreg:$0x5];
	[sflag:s30] =	ssyncadd.s32 $0xFFFFD800  }
0x80: {  	[hbm4b:s9+s4] =	stream.linear.scatter [tilespmem:s29], [sflag:$0x3], $0x2800, $0x38;
	[tilespmem:$0x19100] =	vst v63  }
0x81: {  	_ =	swait.ge [sflag:s30], $0x2800  }
0x82: {  	[sflag:s30] =	ssyncset.done $0x0  }
0x83: {  	[sflag:s30] =	ssyncadd.s32 $0xFFFFD800  }
0x84: {  	[tilespmem:s29], [sflag:$0x3] =	stream.linear.gather [spmem:s18], $0x2800, $0x38;
	[tilespmem:$0x19100] =	vst v63  }
0x85: {  	_ =	swait.ge [sflag:s30], $0x2800  }
0x86: {  	[sflag:s30] =	ssyncset.done $0x0  }
0x87: {  	s10 =	rddreg [dreg:$0x6];
	[sflag:s30] =	ssyncadd.s32 $0xFFFFD800  }
0x88: {  	[hbm4b:s10+s4] =	stream.linear.scatter [tilespmem:s29], [sflag:$0x3], $0x2800, $0x38;
	[tilespmem:$0x19100] =	vst v63  }
0x89: {  	_ =	swait.ge [sflag:s30], $0x2800  }
0x8a: {  	[sflag:s30] =	ssyncset.done $0x0  }
0x8b: {  	[sflag:s30] =	ssyncadd.s32 $0xFFFFD800  }
0x8c: {  	[tilespmem:s29], [sflag:$0x3] =	stream.linear.gather [spmem:s19], $0x2800, $0x38;
	[tilespmem:$0x19100] =	vst v63  }
0x8d: {  	_ =	swait.ge [sflag:s30], $0x2800  }
0x8e: {  	[sflag:s30] =	ssyncset.done $0x0  }
0x8f: {  	s11 =	rddreg [dreg:$0x7];
	[sflag:s30] =	ssyncadd.s32 $0xFFFFD800  }
0x90: {  	[hbm4b:s11+s4] =	stream.linear.scatter [tilespmem:s29], [sflag:$0x3], $0x2800, $0x38;
	[tilespmem:$0x19100] =	vst v63  }
0x91: {  	_ =	swait.ge [sflag:s30], $0x2800  }
0x92: {  	[sflag:s30] =	ssyncset.done $0x0  }
0x93: {  	[sflag:s30] =	ssyncadd.s32 $0xFFFFD800  }
0x94: {  	[tilespmem:s29], [sflag:$0x3] =	stream.linear.gather [spmem:s20], $0x2800, $0x38;
	[tilespmem:$0x19100] =	vst v63  }
0x95: {  	_ =	swait.ge [sflag:s30], $0x2800  }
0x96: {  	[sflag:s30] =	ssyncset.done $0x0  }
0x97: {  	s12 =	rddreg [dreg:$0x8];
	[sflag:s30] =	ssyncadd.s32 $0xFFFFD800  }
0x98: {  	[hbm4b:s12+s4] =	stream.linear.scatter [tilespmem:s29], [sflag:$0x3], $0x2800, $0x38;
	[tilespmem:$0x19100] =	vst v63  }
0x99: {  	_ =	swait.ge [sflag:s30], $0x2800  }
0x9a: {  	[sflag:s30] =	ssyncset.done $0x0  }
0x9b: {  	[sflag:s30] =	ssyncadd.s32 $0xFFFFD800  }
0x9c: {  	[tilespmem:s29], [sflag:$0x3] =	stream.linear.gather [spmem:s21], $0x2800, $0x38;
	[tilespmem:$0x19100] =	vst v63  }
0x9d: {  	_ =	swait.ge [sflag:s30], $0x2800  }
0x9e: {  	[sflag:s30] =	ssyncset.done $0x0  }
0x9f: {  	s10 =	rddreg [dreg:$0x9];
	[sflag:s30] =	ssyncadd.s32 $0xFFFFD800  }
0xa0: {  	[hbm4b:s10+s4] =	stream.linear.scatter [tilespmem:s29], [sflag:$0x3], $0x2800, $0x38;
	[tilespmem:$0x19100] =	vst v63  }
0xa1: {  	_ =	swait.ge [sflag:s30], $0x2800  }
0xa2: {  	[sflag:s30] =	ssyncset.done $0x0  }
0xa3: {  	[sflag:s30] =	ssyncadd.s32 $0xFFFFD800  }
0xa4: {  	[tilespmem:s29], [sflag:$0x3] =	stream.linear.gather [spmem:s22], $0x2800, $0x38;
	[tilespmem:$0x19100] =	vst v63  }
0xa5: {  	_ =	swait.ge [sflag:s30], $0x2800  }
0xa6: {  	[sflag:s30] =	ssyncset.done $0x0  }
0xa7: {  	s11 =	rddreg [dreg:$0xa];
	[sflag:s30] =	ssyncadd.s32 $0xFFFFD800  }
0xa8: {  	[hbm4b:s11+s4] =	stream.linear.scatter [tilespmem:s29], [sflag:$0x3], $0x2800, $0x38;
	[tilespmem:$0x19100] =	vst v63  }
0xa9: {  	_ =	swait.ge [sflag:s30], $0x2800  }
0xaa: {  	[sflag:s30] =	ssyncset.done $0x0  }
0xab: {  	[sflag:s30] =	ssyncadd.s32 $0xFFFFD800  }
0xac: {  	[tilespmem:s29], [sflag:$0x3] =	stream.linear.gather [spmem:s23], $0x2800, $0x38;
	[tilespmem:$0x19100] =	vst v63  }
0xad: {  	_ =	swait.ge [sflag:s30], $0x2800  }
0xae: {  	[sflag:s30] =	ssyncset.done $0x0  }
0xaf: {  	s12 =	rddreg [dreg:$0xb];
	[sflag:s30] =	ssyncadd.s32 $0xFFFFD800  }
0xb0: {  	[hbm4b:s12+s4] =	stream.linear.scatter [tilespmem:s29], [sflag:$0x3], $0x2800, $0x38;
	[tilespmem:$0x19100] =	vst v63  }
0xb1: {  	_ =	swait.ge [sflag:s30], $0x2800  }
0xb2: {  	[sflag:s30] =	ssyncset.done $0x0  }
0xb3: {  	[sflag:s30] =	ssyncadd.s32 $0xFFFFD800  }
0xb4: {  	[tilespmem:s29], [sflag:$0x3] =	stream.linear.gather [spmem:s24], $0x2800, $0x38;
	[tilespmem:$0x19100] =	vst v63  }
0xb5: {  	s8 =	sadd.s32 $0x1, s8;
	_ =	swait.ge [sflag:s30], $0x2800  }
0xb6: {  	p0 =	sne.s32 s8, s16;
	[sflag:s30] =	ssyncset.done $0x0  }
.Ltmp1:
0xb7: {  	[sflag:s30] =	ssyncadd.s32 $0xFFFFD800;
	(pc) =	sbr.rel @p0 .LBB2_1-.Ltmp1, $4  }
0xb8: {  	[hbm4b:s13+s4] =	stream.linear.scatter [tilespmem:s29], [sflag:$0x3], $0x2800, $0x38;
	[tilespmem:$0x19100] =	vst v63  }
0xb9: {  	_ =	swait.ge [sflag:s30], $0x2800  }
0xba: {  	[sflag:s30] =	ssyncset.done $0x0  }
0xbb: {  	[sflag:s30] =	ssyncadd.s32 $0xFFFFD800  }
0xbc: {  	_ =	sfence.sel $0x180000  }
0xbd: {  	[bflag:$0x0] =	sbarrier.arrive $0xFFFF  }
0xbe: {  	_ =	strace $0x90000047  }
0xbf: {  	s0 =	stileid.u32;
	[bflag:$0x2] =	sbarrier.arrive $0xFFFF  }
0xc0: {  	p0 =	sne.s32 s0, $0x0;
	s0 =	rddreg [dreg:$0x3]  }
0xc1: {  	s0 =	sadd.s32 @!p0 $0x100000, s0  }
0xc2: {  	[sflag:s0] =	ssyncadd.tile.s32 @!p0 $0x1;
	_ =	shalt  }
.Lfunc_end2:
_tile_overlayer_lowered:
.L_overlay_start_2:
0xc3: {  	(tag) =	ssettag $0x2  }
0xc4: {  	s0 =	rddreg [dreg:$0x0];
	s2 =	stileid.u32  }
0xc5: {  	s1 =	rddreg [dreg:$0x1];
	p0 =	sne.s32 s2, $0x0  }
0xc6: {  	s3 =	rddreg [dreg:$0x2];
	[bflag:$0x3] =	sbarrier.arrive $0xFFFF;
	s2 =	simm.s32 @!p0 $0x1C03  }
0xc7: {  	[timem:s3], [sflag:s2] =	dma.local @!p0 [hbm:s0], s1  }
0xc8: {  	s0 =	simm.s32 @!p0 $0x3  }
0xc9: {  	_ =	swait.ge @!p0 [sflag:s0], s1  }
0xca: {  	s1 =	ssub.s32 @!p0 $0x0, s1;
	[sflag:s0] =	ssyncset.done @!p0 $0x0  }
0xcb: {  	[sflag:s0] =	ssyncadd.s32 @!p0 s1  }
0xcc: {  	[bflag:$0x3] =	sbarrier.arrive $0xFFFF  }
0xcd: {  	_ =	shalt  }

// kernel: kernel.6.cloned.1.call-start
scs
__scs_entry_jumppad:
0x0: {  	(pc) =	sbr.rel $0x88, $3  }
0x1: {  	(tag) =	ssettag $0x0;
	lr =	simm.s32 $0x1  }
0x2: {  	[smem:$0x3F96] =	sst lr;
	_ =	strace $0xD0000000  }
0x3: {  	_ = 	snop  }
0x4: {  	_ = 	snop  }
0x5: {  	_ = 	snop  }
0x6: {  	_ = 	snop  }
0x7: {  	_ = 	snop  }
__scs_overlays_trampoline_lowered:
0x8: {  	[smem:$0x3FA5] =	sst s0  }
0x9: {  	[smem:$0x3FA6] =	sst s1  }
0xa: {  	[smem:$0x3FA7] =	sst s2  }
0xb: {  	[smem:$0x3FA8] =	sst s3  }
0xc: {  	[smem:$0x3FA9] =	sst s4  }
0xd: {  	[smem:$0x3FAA] =	sst s5  }
0xe: {  	[smem:$0x3FAB] =	sst s6  }
0xf: {  	[smem:$0x3FAC] =	sst s7  }
0x10: {  	[smem:$0x3FAD] =	sst s8  }
0x11: {  	[smem:$0x3FAE] =	sst s9;
	s0 =	simm.s32 @!p0 $0x0  }
0x12: {  	s1 =	sld [smem:$0x3F94];
	s0 =	simm.s32 @p0 $0x1  }
0x13: {  	[smem:$0x3FAF] =	sst s0;
	s0 =	simm.s32 @!p1 $0x0  }
0x14: {  	s2 =	sld [smem:$0x3F93];
	s0 =	simm.s32 @p1 $0x1  }
0x15: {  	[smem:$0x3FB0] =	sst s0;
	s0 =	simm.s32 @!p2 $0x0  }
0x16: {  	s3 =	sld [smem:$0x3FDB];
	s0 =	simm.s32 @p2 $0x1  }
0x17: {  	s4 =	simm.s32 $0x1BF5;
	[smem:$0x3FB2] =	sst s0  }
0x18: {  	s0 =	sld [smem:$0x3F95];
	_ =	swait.ge [sflag:s4], $0x0  }
0x19: {  	s7 =	sld [smem:$0x3F96]  }
0x1a: {  	s8 =	sadd.s32 $0xFFFFE003, lr  }
0x1b: {  	s9 =	sadd.s32 $0xFFFFFEF7, lr;
	s5 =	simm.s32 $0xFFFFFFFF;
	p2 =	slt.u32 s8, $0xFFFFF086  }
0x1c: {  	p1 =	slt.u32 s9, $0xF7A;
	s5 =	simm.s32 @!p2 $0x0  }
0x1d: {  	s5 =	simm.s32 @p1 $0x1;
	p0 =	seq.s32 s7, s2  }
0x1e: {  	s7 =	smul.u32 @!p0 $0xF7A, s2;
	p2 =	seq.s32 @!p0 s5, $0x0  }
0x1f: {  	s9 =	smul.u32 $0xF7A, s1;
	s8 =	simm.s32 @!p0 $0x1BF5;
	p2 =	por !p2, p0  }
0x20: {  	[sflag:s8] =	ssyncset.s32 @!p0 $0xFFFFF086;
	s6 =	sadd.s32 @!p0 s3, s7;
	s7 =	simm.s32 @!p0 $0x108  }
0x21: {  	s3 =	sadd.s32 s3, s9;
	s6 =	sadd.s32 @!p0 $0x88, s6;
	s7 =	simm.s32 @p2 $0x1082  }
0x22: {  	[simem:s7], [sflag:s8] =	dma.local @!p0 [hbm:s6], $0xF7A  }
0x23: {  	s9 =	sor.u32 $0xD0000000, s2;
	s6 =	simm.s32 $0x108;
	_ =	swait.ge @!p0 [sflag:s8], $0x0  }
0x24: {  	s3 =	sadd.s32 $0x88, s3;
	s6 =	simm.s32 @!p1 $0x1082;
	[sflag:s4] =	ssyncset.s32 $0xFFFFF086  }
0x25: {  	[simem:s6], [sflag:s4] =	dma.local [hbm:s3], $0xF7A  }
0x26: {  	[smem:$0x3F96] =	sst s1;
	(tag) =	ssettag s2;
	_ =	strace s9  }
0x27: {  	s1 =	sld [smem:$0x3FA6]  }
0x28: {  	s2 =	sld [smem:$0x3FA7]  }
0x29: {  	s4 =	sld [smem:$0x3FA9]  }
0x2a: {  	p0 =	seq.s32 s5, $0x0;
	s5 =	sld [smem:$0x3FAA]  }
0x2b: {  	s6 =	sld [smem:$0x3FAB]  }
0x2c: {  	s7 =	sld [smem:$0x3FAC]  }
0x2d: {  	s3 =	simm.s32 $0x108;
	s8 =	sld [smem:$0x3FAD]  }
0x2e: {  	s3 =	simm.s32 @!p0 $0x1082;
	s9 =	sld [smem:$0x3FAE]  }
0x2f: {  	lr =	sadd.s32 s0, s3;
	s0 =	sld [smem:$0x3FA5]  }
0x30: {  	s3 =	sld [smem:$0x3FA8]  }
0x31: {  	[smem:$0x3FB1] =	sst s10  }
0x32: {  	s10 =	sld [smem:$0x3FAF];
	_ =	sdelay $0x3  }
0x33: {  	p0 =	seq.s32 s10, $0x1;
	s10 =	sld [smem:$0x3FB1];
	_ =	sdelay $0x3  }
0x34: {  	[smem:$0x3FB1] =	sst s10  }
0x35: {  	s10 =	sld [smem:$0x3FB0];
	_ =	sdelay $0x3  }
0x36: {  	p1 =	seq.s32 s10, $0x1;
	s10 =	sld [smem:$0x3FB1];
	_ =	sdelay $0x3  }
0x37: {  	[smem:$0x3FB1] =	sst s10  }
0x38: {  	s10 =	sld [smem:$0x3FB2]  }
0x39: {  	_ = 	snop;
	(pc) =	sbr.ind lr, $3  }
0x3a: {  	_ = 	snop  }
0x3b: {  	_ = 	snop  }
0x3c: {  	p2 =	seq.s32 s10, $0x1;
	s10 =	sld [smem:$0x3FB1]  }
0x3d: {  	_ =	shalt  }
0x3e: {  	_ =	shalt  }
0x3f: {  	_ =	shalt  }
0x40: {  	_ =	shalt  }
0x41: {  	_ =	shalt  }
0x42: {  	_ =	shalt  }
0x43: {  	_ =	shalt  }
0x44: {  	_ =	shalt  }
0x45: {  	_ =	shalt  }
0x46: {  	_ =	shalt  }
0x47: {  	_ =	shalt  }
0x48: {  	_ =	shalt  }
0x49: {  	_ =	shalt  }
0x4a: {  	_ =	shalt  }
0x4b: {  	_ =	shalt  }
0x4c: {  	_ =	shalt  }
0x4d: {  	_ =	shalt  }
0x4e: {  	_ =	shalt  }
0x4f: {  	_ =	shalt  }
0x50: {  	_ =	shalt  }
0x51: {  	_ =	shalt  }
0x52: {  	_ =	shalt  }
0x53: {  	_ =	shalt  }
0x54: {  	_ =	shalt  }
0x55: {  	_ =	shalt  }
0x56: {  	_ =	shalt  }
0x57: {  	_ =	shalt  }
0x58: {  	_ =	shalt  }
0x59: {  	_ =	shalt  }
0x5a: {  	_ =	shalt  }
0x5b: {  	_ =	shalt  }
0x5c: {  	_ =	shalt  }
0x5d: {  	_ =	shalt  }
0x5e: {  	_ =	shalt  }
0x5f: {  	_ =	shalt  }
0x60: {  	_ =	shalt  }
0x61: {  	_ =	shalt  }
0x62: {  	_ =	shalt  }
0x63: {  	_ =	shalt  }
0x64: {  	_ =	shalt  }
0x65: {  	_ =	shalt  }
0x66: {  	_ =	shalt  }
0x67: {  	_ =	shalt  }
0x68: {  	_ =	shalt  }
0x69: {  	_ =	shalt  }
0x6a: {  	_ =	shalt  }
0x6b: {  	_ =	shalt  }
0x6c: {  	_ =	shalt  }
0x6d: {  	_ =	shalt  }
0x6e: {  	_ =	shalt  }
0x6f: {  	_ =	shalt  }
0x70: {  	_ =	shalt  }
0x71: {  	_ =	shalt  }
0x72: {  	_ =	shalt  }
0x73: {  	_ =	shalt  }
0x74: {  	_ =	shalt  }
0x75: {  	_ =	shalt  }
0x76: {  	_ =	shalt  }
0x77: {  	_ =	shalt  }
0x78: {  	_ =	shalt  }
0x79: {  	_ =	shalt  }
0x7a: {  	_ =	shalt  }
0x7b: {  	_ =	shalt  }
0x7c: {  	_ =	shalt  }
0x7d: {  	_ =	shalt  }
0x7e: {  	_ =	shalt  }
0x7f: {  	_ =	shalt  }
0x80: {  	_ =	shalt  }
0x81: {  	_ =	shalt  }
0x82: {  	_ =	shalt  }
0x83: {  	_ =	shalt  }
0x84: {  	_ =	shalt  }
0x85: {  	_ =	shalt  }
0x86: {  	_ =	shalt  }
0x87: {  	_ =	shalt  }
.Lfunc_end0:
.L_simem_size_0:
called_computation_lowered:
.L_overlay_start_0:
0x88: {  	s2 =	sld [smem:$0x3FD9]  }
0x89: {  	s3 =	sld [smem:$0x3FFE];
	_ =	sdelay $0x1  }
0x8a: {  	s1 =	srdreg.scid  }
0x8b: {  	s0 =	sand.u32 $0x1, s1  }
0x8c: {  	s15 =	sshll.u32 s0, $0xA;
	s2 =	sadd.s32 s3, s2  }
0x8d: {  	s2 =	sadd.s32 s2, s15  }
0x8e: {  	[smem:$0x3FBD] =	sst s2  }
0x8f: {  	_ = 	snop  }
0x90: {  	s16 =	sld [smem:$0x3FD0];
	_ =	sdelay $0x2  }
0x91: {  	s4 =	simm.s32 $0xC;
	s5 =	simm.s32 $0x10;
	s2 =	sld [smem:$0x3FC7]  }
0x92: {  	[smem:s5], [sflag:s4] =	dma.local [hbm:s16], $0x1  }
0x93: {  	_ =	swait.eq [sflag:s4], $0x1  }
0x94: {  	[sflag:s4] =	ssyncset.done $0x0  }
0x95: {  	[sflag:s4] =	ssyncadd.s32 $0xFFFFFFFF  }
0x96: {  	s17 =	sld [smem:$0x10];
	(tm) =	ssettm $0x1  }
0x97: {  	s18 =	sld [smem:$0x3FFB];
	_ =	sdelay $0x3  }
0x98: {  	_ =	strace s18  }
0x99: {  	s3 =	sld [smem:$0x3FFC];
	_ =	sdelay $0x3  }
0x9a: {  	_ =	strace s3  }
0x9b: {  	s3 =	sld [smem:$0x3FFD];
	_ =	sdelay $0x3  }
0x9c: {  	_ =	strace s3  }
0x9d: {  	_ =	strace $0x8FFFFFFF  }
0x9e: {  	s19 =	sld [smem:$0x3FDB];
	_ =	sdelay $0x1  }
0x9f: {  	s20 =	simm.s32 $_scs_section_size  }
0xa0: {  	s6 =	simm.s32 $_size__tile_overlayer_lowered;
	s7 =	simm.s32 $_tile_overlayer_lowered  }
0xa1: {  	s8 =	simm.s32 $0x1BFF;
	s21 =	sshll.u32 s7, $0x1;
	s5 =	sadd.s32 s20, s19  }
0xa2: {  	s22 =	simm.s32 $0x0;
	s6 =	sshll.u32 s6, $0x1;
	s7 =	sadd.s32 s21, s5  }
0xa3: {  	[timem:s22], [sflag:s8] =	dma.local [hbm:s7], s6  }
0xa4: {  	_ =	swait.ge [sflag:s8], s6  }
0xa5: {  	s6 =	ssub.s32 $0x0, s6;
	[sflag:s8] =	ssyncset.done $0x0  }
0xa6: {  	[sflag:s8] =	ssyncadd.s32 s6;
	_ =	sdelay $0x1  }
0xa7: {  	s23 =	simm.s32 $0x1B8B  }
0xa8: {  	_ =	swait.ge [sflag:s23], $0x1  }
0xa9: {  	[sflag:s23] =	ssyncset.done $0x0  }
0xaa: {  	[sflag:s23] =	ssyncadd.s32 $0xFFFFFFFF  }
0xab: {  	s6 =	sld [smem:$0x0]  }
0xac: {  	s7 =	sand.u32 $0xFFFFFFFE, s1  }
0xad: {  	p0 =	sne.s32 s1, s7  }
0xae: {  	s7 =	sshll.u32 @p0 s7, $0xE  }
0xaf: {  	s7 =	sadd.s32 @p0 $0x11B8D, s7;
	s8 =	sshll.u32 @p0 s6, $0x11  }
0xb0: {  	s7 =	sor.u32 @p0 s8, s7  }
0xb1: {  	[sflag:s7] =	ssyncadd.remote.s32 @p0 $0x1;
	_ =	sdelay $0x1  }
0xb2: {  	s7 =	simm.s32 @p0 $0x1B8D  }
0xb3: {  	_ =	swait.eq @p0 [sflag:s7], $0x1  }
0xb4: {  	[sflag:s7] =	ssyncadd.s32 @p0 $0xFFFFFFFF  }
0xb5: {  	s8 =	sshll.u32 @!p0 s1, $0xE  }
0xb6: {  	s8 =	sor.u32 @!p0 $0x4000, s8;
	s7 =	simm.s32 @!p0 $0x1B8D  }
0xb7: {  	s6 =	sshll.u32 @!p0 s6, $0x11;
	s8 =	sadd.s32 @!p0 $0x11B8D, s8;
	_ =	swait.eq @!p0 [sflag:s7], $0x1  }
0xb8: {  	s6 =	sor.u32 @!p0 s6, s8;
	[sflag:s7] =	ssyncadd.s32 @!p0 $0xFFFFFFFF  }
0xb9: {  	s25 =	simm.s32 $0x1B8E;
	s24 =	sld [smem:$0x3FFE];
	[sflag:s6] =	ssyncadd.remote.s32 @!p0 $0x1  }
0xba: {  	s26 =	simm.s32 $execute0_lowered;
	[smem:$0x3FD2] =	sst s25  }
0xbb: {  	s7 =	sshll.u32 s26, $0x1;
	_ =	strace $0x80000049;
	[dreg:$0x1] =	wrdreg $0xFFFFFFFF  }
0xbc: {  	s28 =	simm.s32 $_size_execute0_lowered;
	s5 =	sadd.s32 s5, s7;
	[dreg:$0x0] =	wrdreg $0x0  }
0xbd: {  	s7 =	sshll.u32 s28, $0x1;
	[dreg:$0x2] =	wrdreg s5  }
0xbe: {  	[dreg:$0x3] =	wrdreg s7  }
0xbf: {  	[dreg:$0x4] =	wrdreg $0xC0  }
0xc0: {  	_ =	task [dreg:s22], $0x5FFFF  }
0xc1: {  	[dreg:$0x1] =	wrdreg $0xFFFFFFFF  }
0xc2: {  	[dreg:$0x0] =	wrdreg $0x60  }
0xc3: {  	[dreg:$0x2] =	wrdreg s17  }
0xc4: {  	[dreg:$0x3] =	wrdreg s2  }
0xc5: {  	[dreg:$0x4] =	wrdreg s24  }
0xc6: {  	[dreg:$0x5] =	wrdreg $0x0  }
0xc7: {  	[dreg:$0x6] =	wrdreg $0x9  }
0xc8: {  	_ =	task.clear_ibuf [dreg:s22], $0x7FFFF;
	_ =	strace $0x90000049  }
0xc9: {  	s29 =	simm.s32 $0x9;
	_ =	strace $0x8000004B  }
0xca: {  	_ =	swait.ge [sflag:s29], $0x1  }
0xcb: {  	[sflag:s29] =	ssyncadd.s32 $0xFFFFFFFF  }
0xcc: {  	_ =	strace $0x9000004B  }
0xcd: {  	_ =	sfence  }
0xce: {  	s30 =	sld [smem:$0x0];
	_ =	sdelay $0x2  }
0xcf: {  	s31 =	sshll.u32 s1, $0xD;
	s1 =	sshrl.u32 s1, $0x2  }
0xd0: {  	s4 =	sand.u32 $0x4000, s31;
	s1 =	sadd.s32 s1, s30  }
0xd1: {  	s0 =	sor.u32 s4, s0;
	s1 =	sshll.u32 s1, $0x11  }
0xd2: {  	s0 =	sor.u32 s1, s0  }
0xd3: {  	s0 =	sadd.s32 $0x8F2B, s0  }
0xd4: {  	[sflag:s0] =	ssyncadd.remote.s32 $0x1  }
0xd5: {  	_ =	sfence.sel $0xFFFF  }
0xd6: {  	[dreg:$0x0] =	wrdreg $0xFFFFFFFF;
	(pc) =	sbr.abs _section_cstart, $3  }
0xd7: {  	[dreg:$0x1] =	wrdreg $0xFFFFFFFF  }
0xd8: {  	_ =	task.clear_ibuf [dreg:s22], $0x2FFFF;
	_ =	strace $0x9FFFFFFF  }
0xd9: {  	(tm) =	ssettm $0x7FFFFFFF  }
tec
execute0_lowered:
.L_overlay_start_1:
0x0: {  	(tag) =	ssettag $0x1  }
0x1: {  	s1 =	rddreg [dreg:$0x0]  }
0x2: {  	s0 =	rddreg [dreg:$0x1]  }
0x3: {  	s2 =	rddreg [dreg:$0x2];
	s22 =	stileid.u32  }
0x4: {  	s3 =	rddreg [dreg:$0x3];
	s7 =	smul.u32 $0x4E20, s22  }
0x5: {  	s4 =	srdreg.scid;
	s14 =	smul.u32 $0x4E200, s22  }
0x6: {  	s16 =	simm.s32 $0x7C200;
	s31 =	simm.s32 $0x14000;
	s10 =	smul.u32 $0x280, s22  }
0x7: {  	s5 =	sand.u32 $0x1, s4;
	s4 =	simm.s32 $0x0;
	s26 =	smul.u32 $0x50000, s22  }
0x8: {  	s6 =	ssub.s32 $0x2, s5;
	s8 =	sxor.u32 $0x1, s5;
	[smem:$0x7FF] =	sst s4  }
0x9: {  	p0 =	seq.s32 s5, $0x1;
	s9 =	sshrl.u32 s6, $0x1;
	s8 =	smul.u32 $0x4E200, s8  }
0xa: {  	s30 =	sadd.s32 s0, s14;
	s5 =	sadd.s32 $0xA0, s10;
	s12 =	sadd.s32 $0x190, s10  }
0xb: {  	s13 =	sadd.s32 $0x1E0, s10;
	s14 =	smul.u32 $0x2800, s22;
	s16 =	simm.s32 @!p0 $0x54200  }
0xc: {  	s6 =	ssub.s32 s6, s9;
	s9 =	sadd.s32 $0x140, s10;
	s17 =	sshll.u32 s5, $0x4  }
0xd: {  	s20 =	sshll.u32 s12, $0x4;
	s16 =	sadd.s32 s16, s2;
	s21 =	sshll.u32 s13, $0x4  }
0xe: {  	s2 =	sadd.s32 $0x3600, s2;
	s5 =	sshll.u32 s5, $0x7;
	s12 =	sshll.u32 s12, $0x7  }
0xf: {  	s11 =	sadd.s32 s7, s8;
	s7 =	sadd.s32 $0x50, s7;
	s14 =	sadd.s32 s16, s14  }
0x10: {  	s19 =	sshll.u32 s9, $0x4;
	s17 =	sadd.s32 s16, s17;
	[dreg:$0x6] =	wrdreg s14  }
0x11: {  	s20 =	sadd.s32 s16, s20;
	s21 =	sadd.s32 s16, s21;
	[dreg:$0x8] =	wrdreg s17  }
0x12: {  	s9 =	sshll.u32 s9, $0x7;
	s8 =	sadd.s32 s7, s8;
	[dreg:$0xb] =	wrdreg s20  }
0x13: {  	s7 =	sshll.u32 s7, $0x4;
	s19 =	sadd.s32 s16, s19;
	[dreg:$0xc] =	wrdreg s21  }
0x14: {  	s25 =	sshrl.u32 s11, $0x3;
	s21 =	sadd.s32 s5, s3;
	s29 =	sadd.s32 $0xA0, s11  }
0x15: {  	s5 =	simm.s32 $0x16800;
	s0 =	sadd.s32 s0, s7;
	s7 =	sadd.s32 $0xF0, s10  }
0x16: {  	[dreg:$0xa] =	wrdreg s19;
	s24 =	sshrl.u32 s8, $0x3;
	s8 =	sadd.s32 s1, s25  }
0x17: {  	[dreg:$0x5] =	wrdreg s0;
	s0 =	sor.u32 $0x50, s10;
	s18 =	sshll.u32 s7, $0x4  }
0x18: {  	s10 =	sadd.s32 $0x230, s10;
	s15 =	sshll.u32 s0, $0x4;
	s18 =	sadd.s32 s16, s18  }
0x19: {  	s23 =	sshll.u32 s10, $0x4;
	s0 =	sshll.u32 s0, $0x7;
	s15 =	sadd.s32 s16, s15  }
0x1a: {  	[dreg:$0x9] =	wrdreg s18;
	s14 =	sadd.s32 s16, s23;
	s18 =	smax.u32 s6, $0x1  }
0x1b: {  	s6 =	sshrl.u32 s26, $0x2;
	s20 =	sadd.s32 s0, s3;
	s23 =	sadd.s32 s9, s3  }
0x1c: {  	s16 =	sadd.s32 $0xF0, s11;
	s0 =	simm.s32 $0x3;
	[dreg:$0x7] =	wrdreg s15  }
0x1d: {  	s9 =	simm.s32 $0x2;
	[dreg:$0xd] =	wrdreg s14;
	s19 =	sadd.s32 s6, s3  }
0x1e: {  	s14 =	sshll.u32 s13, $0x7;
	s15 =	sshll.u32 s10, $0x7;
	s17 =	sshrl.u32 s16, $0x3  }
0x1f: {  	s6 =	simm.s32 $0x19080;
	_ =	strace $0x8000004A;
	[dreg:$0xe] =	wrdreg s2  }
0x20: {  	s10 =	simm.s32 $0x0;
	[dreg:$0xf] =	wrdreg s8;
	s2 =	sadd.s32 s1, s24  }
0x21: {  	s8 =	sshll.u32 s7, $0x7;
	s24 =	sadd.s32 s12, s3;
	s25 =	sadd.s32 s14, s3  }
0x22: {  	s26 =	sadd.s32 s15, s3;
	s28 =	sadd.s32 s17, s1;
	s17 =	smov.u32 s30  }
0x23: {  	s14 =	sadd.s32 $0xF00, s30;
	s7 =	simm.s32 $0x1;
	[dreg:$0x10] =	wrdreg s2  }
0x24: {  	s22 =	sadd.s32 s8, s3;
	s2 =	simm.s32 $0x19000;
	s8 =	simm.s32 $0x50  }
.LBB2_1:
0x25: {  	s11 =	rddreg [dreg:$0xe]  }
0x26: {  	[tilespmem:s31], [sflag:$0x3] =	stream.linear.gather [hbm4b:s11+s4], $0x2800, $0x38;
	[tilespmem:$0x19100] =	vst v63  }
0x27: {  	_ =	swait.ge [sflag:s0], $0x2800  }
0x28: {  	[sflag:s0] =	ssyncset.done $0x0  }
0x29: {  	[sflag:s0] =	ssyncadd.s32 $0xFFFFD800  }
0x2a: {  	[spmem:s19] =	stream.linear.scatter [tilespmem:s31], [sflag:$0x3], $0x2800, $0x38;
	[tilespmem:$0x19100] =	vst v63  }
0x2b: {  	_ =	swait.ge [sflag:s0], $0x2800  }
0x2c: {  	[sflag:s0] =	ssyncset.done $0x0  }
0x2d: {  	[sflag:s0] =	ssyncadd.s32 $0xFFFFD800  }
0x2e: {  	[spmem:s20] =	stream.linear.scatter [tilespmem:s31], [sflag:$0x3], $0x2800, $0x38;
	[tilespmem:$0x19100] =	vst v63  }
0x2f: {  	_ =	swait.ge [sflag:s0], $0x2800  }
0x30: {  	[sflag:s0] =	ssyncset.done $0x0  }
0x31: {  	[sflag:s0] =	ssyncadd.s32 $0xFFFFD800  }
0x32: {  	[spmem:s21] =	stream.linear.scatter [tilespmem:s31], [sflag:$0x3], $0x2800, $0x38;
	[tilespmem:$0x19100] =	vst v63  }
0x33: {  	_ =	swait.ge [sflag:s0], $0x2800  }
0x34: {  	[sflag:s0] =	ssyncset.done $0x0  }
0x35: {  	[sflag:s0] =	ssyncadd.s32 $0xFFFFD800  }
0x36: {  	[spmem:s22] =	stream.linear.scatter [tilespmem:s31], [sflag:$0x3], $0x2800, $0x38;
	[tilespmem:$0x19100] =	vst v63  }
0x37: {  	_ =	swait.ge [sflag:s0], $0x2800  }
0x38: {  	[sflag:s0] =	ssyncset.done $0x0  }
0x39: {  	[sflag:s0] =	ssyncadd.s32 $0xFFFFD800  }
0x3a: {  	[spmem:s23] =	stream.linear.scatter [tilespmem:s31], [sflag:$0x3], $0x2800, $0x38;
	[tilespmem:$0x19100] =	vst v63  }
0x3b: {  	_ =	swait.ge [sflag:s0], $0x2800  }
0x3c: {  	[sflag:s0] =	ssyncset.done $0x0  }
0x3d: {  	[sflag:s0] =	ssyncadd.s32 $0xFFFFD800  }
0x3e: {  	[spmem:s24] =	stream.linear.scatter [tilespmem:s31], [sflag:$0x3], $0x2800, $0x38;
	[tilespmem:$0x19100] =	vst v63  }
0x3f: {  	_ =	swait.ge [sflag:s0], $0x2800  }
0x40: {  	[sflag:s0] =	ssyncset.done $0x0  }
0x41: {  	[sflag:s0] =	ssyncadd.s32 $0xFFFFD800  }
0x42: {  	[spmem:s25] =	stream.linear.scatter [tilespmem:s31], [sflag:$0x3], $0x2800, $0x38;
	[tilespmem:$0x19100] =	vst v63  }
0x43: {  	_ =	swait.ge [sflag:s0], $0x2800  }
0x44: {  	[sflag:s0] =	ssyncset.done $0x0  }
0x45: {  	[sflag:s0] =	ssyncadd.s32 $0xFFFFD800  }
0x46: {  	[spmem:s26] =	stream.linear.scatter [tilespmem:s31], [sflag:$0x3], $0x2800, $0x38;
	[tilespmem:$0x19100] =	vst v63  }
0x47: {  	_ =	swait.ge [sflag:s0], $0x2800  }
0x48: {  	[sflag:s0] =	ssyncset.done $0x0  }
0x49: {  	[sflag:s0] =	ssyncadd.s32 $0xFFFFD800  }
0x4a: {  	[bflag:$0x0] =	sbarrier.arrive $0xFFFF  }
0x4b: {  	s15 =	rddreg [dreg:$0xf]  }
0x4c: {  	[tilespmem:s2], [sflag:$0x1] =	stream.linear.gather [hbm4b:s15+s4], $0x50, $0x38;
	[tilespmem:$0x19100] =	vst v63  }
0x4d: {  	_ = 	snop  }
0x4e: {  	[tilespmem:s31], [sflag:$0x1] =	stream.linear.gather [hbm4b:s17+s4], $0x2800, $0x38;
	[tilespmem:$0x19100] =	vst v63  }
0x4f: {  	s16 =	rddreg [dreg:$0x10]  }
0x50: {  	[tilespmem:s6], [sflag:$0x2] =	stream.linear.gather [hbm4b:s16+s4], $0x50, $0x38;
	[tilespmem:$0x19100] =	vst v63  }
0x51: {  	s12 =	rddreg [dreg:$0x5]  }
0x52: {  	[tilespmem:s5], [sflag:$0x2] =	stream.linear.gather [hbm4b:s12+s4], $0x2800, $0x38;
	[tilespmem:$0x19100] =	vst v63  }
0x53: {  	_ =	swait.ge [sflag:s7], $0x50  }
0x54: {  	[sflag:s7] =	ssyncset.done $0x0  }
0x55: {  	[sflag:s7] =	ssyncadd.s32 $0xFFFFFFB0  }
0x56: {  	_ =	swait.ge [sflag:s7], $0x2800  }
0x57: {  	[sflag:s7] =	ssyncset.done $0x0  }
0x58: {  	[sflag:s7] =	ssyncadd.s32 $0xFFFFD800  }
0x59: {  	[spmem:s3] =	stream.indirect.scatter.add.f32 [tilespmem:s31], [sflag:$0x3], $0x80, s2, s8, $0xb8;
	[tilespmem:$0x19100] =	vst v63  }
0x5a: {  	_ =	swait.ge [sflag:s0], $0x2800  }
0x5b: {  	s13 =	sshrl.u32 s29, $0x3;
	[sflag:s0] =	ssyncset.done $0x0  }
0x5c: {  	s11 =	sadd.s32 s1, s13;
	[sflag:s0] =	ssyncadd.s32 $0xFFFFD800  }
0x5d: {  	[tilespmem:s2], [sflag:$0x1] =	stream.linear.gather [hbm4b:s11+s4], $0x50, $0x38;
	[tilespmem:$0x19100] =	vst v63  }
0x5e: {  	s15 =	sadd.s32 $0xFFFFFB00, s14  }
0x5f: {  	[tilespmem:s31], [sflag:$0x1] =	stream.linear.gather [hbm4b:s15+s4], $0x2800, $0x38;
	[tilespmem:$0x19100] =	vst v63  }
0x60: {  	_ =	swait.ge [sflag:s9], $0x50  }
0x61: {  	[sflag:s9] =	ssyncset.done $0x0  }
0x62: {  	[sflag:s9] =	ssyncadd.s32 $0xFFFFFFB0  }
0x63: {  	_ =	swait.ge [sflag:s9], $0x2800  }
0x64: {  	[sflag:s9] =	ssyncset.done $0x0  }
0x65: {  	[sflag:s9] =	ssyncadd.s32 $0xFFFFD800  }
0x66: {  	[spmem:s3] =	stream.indirect.scatter.add.f32 [tilespmem:s5], [sflag:$0x3], $0x80, s6, s8, $0xb8;
	[tilespmem:$0x19100] =	vst v63  }
0x67: {  	s30 =	smov.u32 s14;
	_ =	swait.ge [sflag:s0], $0x2800  }
0x68: {  	s13 =	sadd.s32 $0xA0, s29;
	s16 =	sadd.s32 $0x0, s28;
	[sflag:s0] =	ssyncset.done $0x0  }
0x69: {  	s12 =	sadd.s32 $0xA00, s14;
	s11 =	simm.s32 $0x14;
	[sflag:s0] =	ssyncadd.s32 $0xFFFFD800  }
0x6a: {  	[tilespmem:s6], [sflag:$0x2] =	stream.linear.gather [hbm4b:s16+s4], $0x50, $0x38;
	[tilespmem:$0x19100] =	vst v63  }
.LBB2_2:
0x6b: {  	[tilespmem:s5], [sflag:$0x2] =	stream.linear.gather [hbm4b:s30+s4], $0x2800, $0x38;
	[tilespmem:$0x19100] =	vst v63  }
0x6c: {  	s15 =	smov.u32 s11;
	s30 =	smov.u32 s12  }
0x6d: {  	p0 =	sne.s32 s11, $0x99C;
	s11 =	sadd.s32 $0x14, s11;
	_ =	swait.ge [sflag:s7], $0x50  }
0x6e: {  	[sflag:s7] =	ssyncset.done $0x0  }
0x6f: {  	[sflag:s7] =	ssyncadd.s32 $0xFFFFFFB0  }
0x70: {  	_ =	swait.ge [sflag:s7], $0x2800  }
0x71: {  	[sflag:s7] =	ssyncset.done $0x0  }
0x72: {  	[sflag:s7] =	ssyncadd.s32 $0xFFFFD800  }
0x73: {  	[spmem:s3] =	stream.indirect.scatter.add.f32 [tilespmem:s31], [sflag:$0x3], $0x80, s2, s8, $0xb8;
	[tilespmem:$0x19100] =	vst v63  }
0x74: {  	_ =	swait.ge [sflag:s0], $0x2800  }
0x75: {  	s16 =	sshrl.u32 s13, $0x3;
	[sflag:s0] =	ssyncset.done $0x0  }
0x76: {  	s16 =	sadd.s32 s1, s16;
	[sflag:s0] =	ssyncadd.s32 $0xFFFFD800  }
0x77: {  	[tilespmem:s2], [sflag:$0x1] =	stream.linear.gather [hbm4b:s16+s4], $0x50, $0x38;
	[tilespmem:$0x19100] =	vst v63  }
0x78: {  	s16 =	sadd.s32 $0xFFFFFB00, s12  }
0x79: {  	[tilespmem:s31], [sflag:$0x1] =	stream.linear.gather [hbm4b:s16+s4], $0x2800, $0x38;
	[tilespmem:$0x19100] =	vst v63  }
0x7a: {  	_ =	swait.ge [sflag:s9], $0x50  }
0x7b: {  	[sflag:s9] =	ssyncset.done $0x0  }
0x7c: {  	[sflag:s9] =	ssyncadd.s32 $0xFFFFFFB0  }
0x7d: {  	_ =	swait.ge [sflag:s9], $0x2800  }
0x7e: {  	[sflag:s9] =	ssyncset.done $0x0  }
0x7f: {  	[sflag:s9] =	ssyncadd.s32 $0xFFFFD800  }
0x80: {  	[spmem:s3] =	stream.indirect.scatter.add.f32 [tilespmem:s5], [sflag:$0x3], $0x80, s6, s8, $0xb8;
	[tilespmem:$0x19100] =	vst v63  }
.Ltmp0:
0x81: {  	_ =	swait.ge [sflag:s0], $0x2800;
	(pc) =	sbr.rel @p0 .LBB2_2-.Ltmp0, $4  }
0x82: {  	[sflag:s0] =	ssyncset.done $0x0  }
0x83: {  	s15 =	sadd.s32 s15, s28;
	[sflag:s0] =	ssyncadd.s32 $0xFFFFD800  }
0x84: {  	[tilespmem:s6], [sflag:$0x2] =	stream.linear.gather [hbm4b:s15+s4], $0x50, $0x38;
	[tilespmem:$0x19100] =	vst v63  }
0x85: {  	s13 =	sadd.s32 $0xA0, s13;
	s12 =	sadd.s32 $0xA00, s12  }
0x86: {  	[tilespmem:s5], [sflag:$0x2] =	stream.linear.gather [hbm4b:s30+s4], $0x2800, $0x38;
	[tilespmem:$0x19100] =	vst v63  }
0x87: {  	_ =	swait.ge [sflag:s7], $0x50  }
0x88: {  	[sflag:s7] =	ssyncset.done $0x0  }
0x89: {  	[sflag:s7] =	ssyncadd.s32 $0xFFFFFFB0  }
0x8a: {  	_ =	swait.ge [sflag:s7], $0x2800  }
0x8b: {  	[sflag:s7] =	ssyncset.done $0x0  }
0x8c: {  	[sflag:s7] =	ssyncadd.s32 $0xFFFFD800  }
0x8d: {  	[spmem:s3] =	stream.indirect.scatter.add.f32 [tilespmem:s31], [sflag:$0x3], $0x80, s2, s8, $0xb8;
	[tilespmem:$0x19100] =	vst v63  }
0x8e: {  	_ =	swait.ge [sflag:s0], $0x2800  }
0x8f: {  	[sflag:s0] =	ssyncset.done $0x0  }
0x90: {  	[sflag:s0] =	ssyncadd.s32 $0xFFFFD800  }
0x91: {  	_ =	swait.ge [sflag:s9], $0x50  }
0x92: {  	[sflag:s9] =	ssyncset.done $0x0  }
0x93: {  	[sflag:s9] =	ssyncadd.s32 $0xFFFFFFB0  }
0x94: {  	_ =	swait.ge [sflag:s9], $0x2800  }
0x95: {  	[sflag:s9] =	ssyncset.done $0x0  }
0x96: {  	[sflag:s9] =	ssyncadd.s32 $0xFFFFD800  }
0x97: {  	[spmem:s3] =	stream.indirect.scatter.add.f32 [tilespmem:s5], [sflag:$0x3], $0x80, s6, s8, $0xb8;
	[tilespmem:$0x19100] =	vst v63  }
0x98: {  	_ =	swait.ge [sflag:s0], $0x2800  }
0x99: {  	[sflag:s0] =	ssyncset.done $0x0  }
0x9a: {  	[sflag:s0] =	ssyncadd.s32 $0xFFFFD800  }
0x9b: {  	[bflag:$0x0] =	sbarrier.arrive $0xFFFF  }
0x9c: {  	[tilespmem:s31], [sflag:$0x3] =	stream.linear.gather [spmem:s19], $0x2800, $0x38;
	[tilespmem:$0x19100] =	vst v63  }
0x9d: {  	_ =	swait.ge [sflag:s0], $0x2800  }
0x9e: {  	[sflag:s0] =	ssyncset.done $0x0  }
0x9f: {  	s11 =	rddreg [dreg:$0x6];
	[sflag:s0] =	ssyncadd.s32 $0xFFFFD800  }
0xa0: {  	[hbm4b:s11+s4] =	stream.linear.scatter [tilespmem:s31], [sflag:$0x3], $0x2800, $0x38;
	[tilespmem:$0x19100] =	vst v63  }
0xa1: {  	_ =	swait.ge [sflag:s0], $0x2800  }
0xa2: {  	[sflag:s0] =	ssyncset.done $0x0  }
0xa3: {  	[sflag:s0] =	ssyncadd.s32 $0xFFFFD800  }
0xa4: {  	[tilespmem:s31], [sflag:$0x3] =	stream.linear.gather [spmem:s20], $0x2800, $0x38;
	[tilespmem:$0x19100] =	vst v63  }
0xa5: {  	_ =	swait.ge [sflag:s0], $0x2800  }
0xa6: {  	[sflag:s0] =	ssyncset.done $0x0  }
0xa7: {  	s16 =	rddreg [dreg:$0x7];
	[sflag:s0] =	ssyncadd.s32 $0xFFFFD800  }
0xa8: {  	[hbm4b:s16+s4] =	stream.linear.scatter [tilespmem:s31], [sflag:$0x3], $0x2800, $0x38;
	[tilespmem:$0x19100] =	vst v63  }
0xa9: {  	_ =	swait.ge [sflag:s0], $0x2800  }
0xaa: {  	[sflag:s0] =	ssyncset.done $0x0  }
0xab: {  	[sflag:s0] =	ssyncadd.s32 $0xFFFFD800  }
0xac: {  	[tilespmem:s31], [sflag:$0x3] =	stream.linear.gather [spmem:s21], $0x2800, $0x38;
	[tilespmem:$0x19100] =	vst v63  }
0xad: {  	_ =	swait.ge [sflag:s0], $0x2800  }
0xae: {  	[sflag:s0] =	ssyncset.done $0x0  }
0xaf: {  	s30 =	rddreg [dreg:$0x8];
	[sflag:s0] =	ssyncadd.s32 $0xFFFFD800  }
0xb0: {  	[hbm4b:s30+s4] =	stream.linear.scatter [tilespmem:s31], [sflag:$0x3], $0x2800, $0x38;
	[tilespmem:$0x19100] =	vst v63  }
0xb1: {  	_ =	swait.ge [sflag:s0], $0x2800  }
0xb2: {  	[sflag:s0] =	ssyncset.done $0x0  }
0xb3: {  	[sflag:s0] =	ssyncadd.s32 $0xFFFFD800  }
0xb4: {  	[tilespmem:s31], [sflag:$0x3] =	stream.linear.gather [spmem:s22], $0x2800, $0x38;
	[tilespmem:$0x19100] =	vst v63  }
0xb5: {  	_ =	swait.ge [sflag:s0], $0x2800  }
0xb6: {  	[sflag:s0] =	ssyncset.done $0x0  }
0xb7: {  	s12 =	rddreg [dreg:$0x9];
	[sflag:s0] =	ssyncadd.s32 $0xFFFFD800  }
0xb8: {  	[hbm4b:s12+s4] =	stream.linear.scatter [tilespmem:s31], [sflag:$0x3], $0x2800, $0x38;
	[tilespmem:$0x19100] =	vst v63  }
0xb9: {  	_ =	swait.ge [sflag:s0], $0x2800  }
0xba: {  	[sflag:s0] =	ssyncset.done $0x0  }
0xbb: {  	[sflag:s0] =	ssyncadd.s32 $0xFFFFD800  }
0xbc: {  	[tilespmem:s31], [sflag:$0x3] =	stream.linear.gather [spmem:s23], $0x2800, $0x38;
	[tilespmem:$0x19100] =	vst v63  }
0xbd: {  	_ =	swait.ge [sflag:s0], $0x2800  }
0xbe: {  	[sflag:s0] =	ssyncset.done $0x0  }
0xbf: {  	s13 =	rddreg [dreg:$0xa];
	[sflag:s0] =	ssyncadd.s32 $0xFFFFD800  }
0xc0: {  	[hbm4b:s13+s4] =	stream.linear.scatter [tilespmem:s31], [sflag:$0x3], $0x2800, $0x38;
	[tilespmem:$0x19100] =	vst v63  }
0xc1: {  	_ =	swait.ge [sflag:s0], $0x2800  }
0xc2: {  	[sflag:s0] =	ssyncset.done $0x0  }
0xc3: {  	[sflag:s0] =	ssyncadd.s32 $0xFFFFD800  }
0xc4: {  	[tilespmem:s31], [sflag:$0x3] =	stream.linear.gather [spmem:s24], $0x2800, $0x38;
	[tilespmem:$0x19100] =	vst v63  }
0xc5: {  	_ =	swait.ge [sflag:s0], $0x2800  }
0xc6: {  	[sflag:s0] =	ssyncset.done $0x0  }
0xc7: {  	s15 =	rddreg [dreg:$0xb];
	[sflag:s0] =	ssyncadd.s32 $0xFFFFD800  }
0xc8: {  	[hbm4b:s15+s4] =	stream.linear.scatter [tilespmem:s31], [sflag:$0x3], $0x2800, $0x38;
	[tilespmem:$0x19100] =	vst v63  }
0xc9: {  	_ =	swait.ge [sflag:s0], $0x2800  }
0xca: {  	[sflag:s0] =	ssyncset.done $0x0  }
0xcb: {  	[sflag:s0] =	ssyncadd.s32 $0xFFFFD800  }
0xcc: {  	[tilespmem:s31], [sflag:$0x3] =	stream.linear.gather [spmem:s25], $0x2800, $0x38;
	[tilespmem:$0x19100] =	vst v63  }
0xcd: {  	_ =	swait.ge [sflag:s0], $0x2800  }
0xce: {  	[sflag:s0] =	ssyncset.done $0x0  }
0xcf: {  	s16 =	rddreg [dreg:$0xc];
	[sflag:s0] =	ssyncadd.s32 $0xFFFFD800  }
0xd0: {  	[hbm4b:s16+s4] =	stream.linear.scatter [tilespmem:s31], [sflag:$0x3], $0x2800, $0x38;
	[tilespmem:$0x19100] =	vst v63  }
0xd1: {  	_ =	swait.ge [sflag:s0], $0x2800  }
0xd2: {  	[sflag:s0] =	ssyncset.done $0x0  }
0xd3: {  	[sflag:s0] =	ssyncadd.s32 $0xFFFFD800  }
0xd4: {  	[tilespmem:s31], [sflag:$0x3] =	stream.linear.gather [spmem:s26], $0x2800, $0x38;
	[tilespmem:$0x19100] =	vst v63  }
0xd5: {  	s10 =	sadd.s32 $0x1, s10;
	_ =	swait.ge [sflag:s0], $0x2800  }
0xd6: {  	p0 =	sne.s32 s10, s18;
	[sflag:s0] =	ssyncset.done $0x0  }
.Ltmp1:
0xd7: {  	s30 =	rddreg [dreg:$0xd];
	[sflag:s0] =	ssyncadd.s32 $0xFFFFD800;
	(pc) =	sbr.rel @p0 .LBB2_1-.Ltmp1, $4  }
0xd8: {  	[hbm4b:s30+s4] =	stream.linear.scatter [tilespmem:s31], [sflag:$0x3], $0x2800, $0x38;
	[tilespmem:$0x19100] =	vst v63  }
0xd9: {  	_ =	swait.ge [sflag:s0], $0x2800  }
0xda: {  	[sflag:s0] =	ssyncset.done $0x0  }
0xdb: {  	[sflag:s0] =	ssyncadd.s32 $0xFFFFD800  }
0xdc: {  	_ =	sfence.sel $0x180000  }
0xdd: {  	[bflag:$0x0] =	sbarrier.arrive $0xFFFF  }
0xde: {  	_ =	strace $0x9000004A  }
0xdf: {  	s0 =	stileid.u32;
	[bflag:$0x2] =	sbarrier.arrive $0xFFFF  }
0xe0: {  	p0 =	sne.s32 s0, $0x0;
	s0 =	rddreg [dreg:$0x4]  }
0xe1: {  	s0 =	sadd.s32 @!p0 $0x100000, s0  }
0xe2: {  	[sflag:s0] =	ssyncadd.tile.s32 @!p0 $0x1;
	_ =	shalt  }
.Lfunc_end2:
_tile_overlayer_lowered:
.L_overlay_start_2:
0xe3: {  	(tag) =	ssettag $0x2  }
0xe4: {  	s0 =	rddreg [dreg:$0x0];
	s2 =	stileid.u32  }
0xe5: {  	s1 =	rddreg [dreg:$0x1];
	p0 =	sne.s32 s2, $0x0  }
0xe6: {  	s3 =	rddreg [dreg:$0x2];
	[bflag:$0x3] =	sbarrier.arrive $0xFFFF;
	s2 =	simm.s32 @!p0 $0x1C03  }
0xe7: {  	[timem:s3], [sflag:s2] =	dma.local @!p0 [hbm:s0], s1  }
0xe8: {  	s0 =	simm.s32 @!p0 $0x3  }
0xe9: {  	_ =	swait.ge @!p0 [sflag:s0], s1  }
0xea: {  	s1 =	ssub.s32 @!p0 $0x0, s1;
	[sflag:s0] =	ssyncset.done @!p0 $0x0  }
0xeb: {  	[sflag:s0] =	ssyncadd.s32 @!p0 s1  }
0xec: {  	[bflag:$0x3] =	sbarrier.arrive $0xFFFF  }
0xed: {  	_ =	shalt  }

// kernel: kernel.9.cloned.1.call-start
scs
__scs_entry_jumppad:
0x0: {  	(pc) =	sbr.rel $0x88, $3  }
0x1: {  	(tag) =	ssettag $0x0;
	lr =	simm.s32 $0x1  }
0x2: {  	[smem:$0x3F96] =	sst lr;
	_ =	strace $0xD0000000  }
0x3: {  	_ = 	snop  }
0x4: {  	_ = 	snop  }
0x5: {  	_ = 	snop  }
0x6: {  	_ = 	snop  }
0x7: {  	_ = 	snop  }
__scs_overlays_trampoline_lowered:
0x8: {  	[smem:$0x3FA5] =	sst s0  }
0x9: {  	[smem:$0x3FA6] =	sst s1  }
0xa: {  	[smem:$0x3FA7] =	sst s2  }
0xb: {  	[smem:$0x3FA8] =	sst s3  }
0xc: {  	[smem:$0x3FA9] =	sst s4  }
0xd: {  	[smem:$0x3FAA] =	sst s5  }
0xe: {  	[smem:$0x3FAB] =	sst s6  }
0xf: {  	[smem:$0x3FAC] =	sst s7  }
0x10: {  	[smem:$0x3FAD] =	sst s8  }
0x11: {  	[smem:$0x3FAE] =	sst s9;
	s0 =	simm.s32 @!p0 $0x0  }
0x12: {  	s1 =	sld [smem:$0x3F94];
	s0 =	simm.s32 @p0 $0x1  }
0x13: {  	[smem:$0x3FAF] =	sst s0;
	s0 =	simm.s32 @!p1 $0x0  }
0x14: {  	s2 =	sld [smem:$0x3F93];
	s0 =	simm.s32 @p1 $0x1  }
0x15: {  	[smem:$0x3FB0] =	sst s0;
	s0 =	simm.s32 @!p2 $0x0  }
0x16: {  	s3 =	sld [smem:$0x3FDB];
	s0 =	simm.s32 @p2 $0x1  }
0x17: {  	s4 =	simm.s32 $0x1BF5;
	[smem:$0x3FB2] =	sst s0  }
0x18: {  	s0 =	sld [smem:$0x3F95];
	_ =	swait.ge [sflag:s4], $0x0  }
0x19: {  	s7 =	sld [smem:$0x3F96]  }
0x1a: {  	s8 =	sadd.s32 $0xFFFFE003, lr  }
0x1b: {  	s9 =	sadd.s32 $0xFFFFFEF7, lr;
	s5 =	simm.s32 $0xFFFFFFFF;
	p2 =	slt.u32 s8, $0xFFFFF086  }
0x1c: {  	p1 =	slt.u32 s9, $0xF7A;
	s5 =	simm.s32 @!p2 $0x0  }
0x1d: {  	s5 =	simm.s32 @p1 $0x1;
	p0 =	seq.s32 s7, s2  }
0x1e: {  	s7 =	smul.u32 @!p0 $0xF7A, s2;
	p2 =	seq.s32 @!p0 s5, $0x0  }
0x1f: {  	s9 =	smul.u32 $0xF7A, s1;
	s8 =	simm.s32 @!p0 $0x1BF5;
	p2 =	por !p2, p0  }
0x20: {  	[sflag:s8] =	ssyncset.s32 @!p0 $0xFFFFF086;
	s6 =	sadd.s32 @!p0 s3, s7;
	s7 =	simm.s32 @!p0 $0x108  }
0x21: {  	s3 =	sadd.s32 s3, s9;
	s6 =	sadd.s32 @!p0 $0x88, s6;
	s7 =	simm.s32 @p2 $0x1082  }
0x22: {  	[simem:s7], [sflag:s8] =	dma.local @!p0 [hbm:s6], $0xF7A  }
0x23: {  	s9 =	sor.u32 $0xD0000000, s2;
	s6 =	simm.s32 $0x108;
	_ =	swait.ge @!p0 [sflag:s8], $0x0  }
0x24: {  	s3 =	sadd.s32 $0x88, s3;
	s6 =	simm.s32 @!p1 $0x1082;
	[sflag:s4] =	ssyncset.s32 $0xFFFFF086  }
0x25: {  	[simem:s6], [sflag:s4] =	dma.local [hbm:s3], $0xF7A  }
0x26: {  	[smem:$0x3F96] =	sst s1;
	(tag) =	ssettag s2;
	_ =	strace s9  }
0x27: {  	s1 =	sld [smem:$0x3FA6]  }
0x28: {  	s2 =	sld [smem:$0x3FA7]  }
0x29: {  	s4 =	sld [smem:$0x3FA9]  }
0x2a: {  	p0 =	seq.s32 s5, $0x0;
	s5 =	sld [smem:$0x3FAA]  }
0x2b: {  	s6 =	sld [smem:$0x3FAB]  }
0x2c: {  	s7 =	sld [smem:$0x3FAC]  }
0x2d: {  	s3 =	simm.s32 $0x108;
	s8 =	sld [smem:$0x3FAD]  }
0x2e: {  	s3 =	simm.s32 @!p0 $0x1082;
	s9 =	sld [smem:$0x3FAE]  }
0x2f: {  	lr =	sadd.s32 s0, s3;
	s0 =	sld [smem:$0x3FA5]  }
0x30: {  	s3 =	sld [smem:$0x3FA8]  }
0x31: {  	[smem:$0x3FB1] =	sst s10  }
0x32: {  	s10 =	sld [smem:$0x3FAF];
	_ =	sdelay $0x3  }
0x33: {  	p0 =	seq.s32 s10, $0x1;
	s10 =	sld [smem:$0x3FB1];
	_ =	sdelay $0x3  }
0x34: {  	[smem:$0x3FB1] =	sst s10  }
0x35: {  	s10 =	sld [smem:$0x3FB0];
	_ =	sdelay $0x3  }
0x36: {  	p1 =	seq.s32 s10, $0x1;
	s10 =	sld [smem:$0x3FB1];
	_ =	sdelay $0x3  }
0x37: {  	[smem:$0x3FB1] =	sst s10  }
0x38: {  	s10 =	sld [smem:$0x3FB2]  }
0x39: {  	_ = 	snop;
	(pc) =	sbr.ind lr, $3  }
0x3a: {  	_ = 	snop  }
0x3b: {  	_ = 	snop  }
0x3c: {  	p2 =	seq.s32 s10, $0x1;
	s10 =	sld [smem:$0x3FB1]  }
0x3d: {  	_ =	shalt  }
0x3e: {  	_ =	shalt  }
0x3f: {  	_ =	shalt  }
0x40: {  	_ =	shalt  }
0x41: {  	_ =	shalt  }
0x42: {  	_ =	shalt  }
0x43: {  	_ =	shalt  }
0x44: {  	_ =	shalt  }
0x45: {  	_ =	shalt  }
0x46: {  	_ =	shalt  }
0x47: {  	_ =	shalt  }
0x48: {  	_ =	shalt  }
0x49: {  	_ =	shalt  }
0x4a: {  	_ =	shalt  }
0x4b: {  	_ =	shalt  }
0x4c: {  	_ =	shalt  }
0x4d: {  	_ =	shalt  }
0x4e: {  	_ =	shalt  }
0x4f: {  	_ =	shalt  }
0x50: {  	_ =	shalt  }
0x51: {  	_ =	shalt  }
0x52: {  	_ =	shalt  }
0x53: {  	_ =	shalt  }
0x54: {  	_ =	shalt  }
0x55: {  	_ =	shalt  }
0x56: {  	_ =	shalt  }
0x57: {  	_ =	shalt  }
0x58: {  	_ =	shalt  }
0x59: {  	_ =	shalt  }
0x5a: {  	_ =	shalt  }
0x5b: {  	_ =	shalt  }
0x5c: {  	_ =	shalt  }
0x5d: {  	_ =	shalt  }
0x5e: {  	_ =	shalt  }
0x5f: {  	_ =	shalt  }
0x60: {  	_ =	shalt  }
0x61: {  	_ =	shalt  }
0x62: {  	_ =	shalt  }
0x63: {  	_ =	shalt  }
0x64: {  	_ =	shalt  }
0x65: {  	_ =	shalt  }
0x66: {  	_ =	shalt  }
0x67: {  	_ =	shalt  }
0x68: {  	_ =	shalt  }
0x69: {  	_ =	shalt  }
0x6a: {  	_ =	shalt  }
0x6b: {  	_ =	shalt  }
0x6c: {  	_ =	shalt  }
0x6d: {  	_ =	shalt  }
0x6e: {  	_ =	shalt  }
0x6f: {  	_ =	shalt  }
0x70: {  	_ =	shalt  }
0x71: {  	_ =	shalt  }
0x72: {  	_ =	shalt  }
0x73: {  	_ =	shalt  }
0x74: {  	_ =	shalt  }
0x75: {  	_ =	shalt  }
0x76: {  	_ =	shalt  }
0x77: {  	_ =	shalt  }
0x78: {  	_ =	shalt  }
0x79: {  	_ =	shalt  }
0x7a: {  	_ =	shalt  }
0x7b: {  	_ =	shalt  }
0x7c: {  	_ =	shalt  }
0x7d: {  	_ =	shalt  }
0x7e: {  	_ =	shalt  }
0x7f: {  	_ =	shalt  }
0x80: {  	_ =	shalt  }
0x81: {  	_ =	shalt  }
0x82: {  	_ =	shalt  }
0x83: {  	_ =	shalt  }
0x84: {  	_ =	shalt  }
0x85: {  	_ =	shalt  }
0x86: {  	_ =	shalt  }
0x87: {  	_ =	shalt  }
.Lfunc_end0:
.L_simem_size_0:
called_computation.1_lowered:
.L_overlay_start_0:
0x88: {  	s2 =	sld [smem:$0x3FD9]  }
0x89: {  	s3 =	sld [smem:$0x3FFE];
	_ =	sdelay $0x1  }
0x8a: {  	s1 =	srdreg.scid  }
0x8b: {  	s0 =	sand.u32 $0x1, s1  }
0x8c: {  	s15 =	sshll.u32 s0, $0xA;
	s2 =	sadd.s32 s3, s2  }
0x8d: {  	s2 =	sadd.s32 s2, s15  }
0x8e: {  	[smem:$0x3FBD] =	sst s2  }
0x8f: {  	_ = 	snop  }
0x90: {  	s16 =	sld [smem:$0x3FD0];
	_ =	sdelay $0x2  }
0x91: {  	s4 =	simm.s32 $0xC;
	s5 =	simm.s32 $0x10;
	s2 =	sld [smem:$0x3FC9]  }
0x92: {  	[smem:s5], [sflag:s4] =	dma.local [hbm:s16], $0x1  }
0x93: {  	_ =	swait.eq [sflag:s4], $0x1  }
0x94: {  	[sflag:s4] =	ssyncset.done $0x0  }
0x95: {  	s17 =	sld [smem:$0x10];
	[sflag:s4] =	ssyncadd.s32 $0xFFFFFFFF  }
0x96: {  	s18 =	sld [smem:$0x11];
	(tm) =	ssettm $0x1  }
0x97: {  	s19 =	sld [smem:$0x3FFB];
	_ =	sdelay $0x3  }
0x98: {  	_ =	strace s19  }
0x99: {  	s3 =	sld [smem:$0x3FFC];
	_ =	sdelay $0x3  }
0x9a: {  	_ =	strace s3  }
0x9b: {  	s3 =	sld [smem:$0x3FFD];
	_ =	sdelay $0x3  }
0x9c: {  	_ =	strace s3  }
0x9d: {  	_ =	strace $0x8FFFFFFF  }
0x9e: {  	s20 =	sld [smem:$0x3FDB];
	_ =	sdelay $0x1  }
0x9f: {  	s6 =	simm.s32 $_scs_section_size  }
0xa0: {  	s7 =	simm.s32 $_size__tile_overlayer_lowered;
	s8 =	simm.s32 $_tile_overlayer_lowered  }
0xa1: {  	s9 =	simm.s32 $0x1BFF;
	s21 =	sshll.u32 s8, $0x1;
	s6 =	sadd.s32 s6, s20  }
0xa2: {  	s22 =	simm.s32 $0x0;
	s7 =	sshll.u32 s7, $0x1;
	s8 =	sadd.s32 s21, s6  }
0xa3: {  	[timem:s22], [sflag:s9] =	dma.local [hbm:s8], s7  }
0xa4: {  	_ =	swait.ge [sflag:s9], s7  }
0xa5: {  	s7 =	ssub.s32 $0x0, s7;
	[sflag:s9] =	ssyncset.done $0x0  }
0xa6: {  	[sflag:s9] =	ssyncadd.s32 s7;
	_ =	sdelay $0x1  }
0xa7: {  	s23 =	simm.s32 $0x1B8B  }
0xa8: {  	_ =	swait.ge [sflag:s23], $0x1  }
0xa9: {  	[sflag:s23] =	ssyncset.done $0x0  }
0xaa: {  	[sflag:s23] =	ssyncadd.s32 $0xFFFFFFFF  }
0xab: {  	s7 =	sld [smem:$0x0]  }
0xac: {  	s8 =	sand.u32 $0xFFFFFFFE, s1  }
0xad: {  	p0 =	sne.s32 s1, s8  }
0xae: {  	s8 =	sshll.u32 @p0 s8, $0xE  }
0xaf: {  	s8 =	sadd.s32 @p0 $0x11B8D, s8;
	s9 =	sshll.u32 @p0 s7, $0x11  }
0xb0: {  	s8 =	sor.u32 @p0 s9, s8  }
0xb1: {  	[sflag:s8] =	ssyncadd.remote.s32 @p0 $0x1;
	_ =	sdelay $0x1  }
0xb2: {  	s8 =	simm.s32 @p0 $0x1B8D  }
0xb3: {  	_ =	swait.eq @p0 [sflag:s8], $0x1  }
0xb4: {  	[sflag:s8] =	ssyncadd.s32 @p0 $0xFFFFFFFF  }
0xb5: {  	s9 =	sshll.u32 @!p0 s1, $0xE  }
0xb6: {  	s9 =	sor.u32 @!p0 $0x4000, s9;
	s8 =	simm.s32 @!p0 $0x1B8D  }
0xb7: {  	s7 =	sshll.u32 @!p0 s7, $0x11;
	s9 =	sadd.s32 @!p0 $0x11B8D, s9;
	_ =	swait.eq @!p0 [sflag:s8], $0x1  }
0xb8: {  	s7 =	sor.u32 @!p0 s7, s9;
	[sflag:s8] =	ssyncadd.s32 @!p0 $0xFFFFFFFF  }
0xb9: {  	s25 =	simm.s32 $0x1B8E;
	s24 =	sld [smem:$0x3FFE];
	[sflag:s7] =	ssyncadd.remote.s32 @!p0 $0x1  }
0xba: {  	s26 =	simm.s32 $execute0_lowered;
	[smem:$0x3FD2] =	sst s25  }
0xbb: {  	s8 =	sshll.u32 s26, $0x1;
	_ =	strace $0x8000004C;
	[dreg:$0x1] =	wrdreg $0xFFFFFFFF  }
0xbc: {  	s28 =	simm.s32 $_size_execute0_lowered;
	s6 =	sadd.s32 s6, s8;
	[dreg:$0x0] =	wrdreg $0x0  }
0xbd: {  	s8 =	sshll.u32 s28, $0x1;
	[dreg:$0x2] =	wrdreg s6  }
0xbe: {  	[dreg:$0x3] =	wrdreg s8  }
0xbf: {  	[dreg:$0x4] =	wrdreg $0xC0  }
0xc0: {  	_ =	task [dreg:s22], $0x5FFFF  }
0xc1: {  	[dreg:$0x1] =	wrdreg $0xFFFFFFFF  }
0xc2: {  	[dreg:$0x0] =	wrdreg $0x60  }
0xc3: {  	[dreg:$0x2] =	wrdreg s17  }
0xc4: {  	[dreg:$0x3] =	wrdreg s2  }
0xc5: {  	[dreg:$0x4] =	wrdreg s24  }
0xc6: {  	[dreg:$0x5] =	wrdreg s18  }
0xc7: {  	[dreg:$0x6] =	wrdreg $0x0  }
0xc8: {  	[dreg:$0x7] =	wrdreg $0xA  }
0xc9: {  	_ =	task.clear_ibuf [dreg:s22], $0x8FFFF;
	_ =	strace $0x9000004C  }
0xca: {  	s29 =	simm.s32 $0xA;
	_ =	strace $0x8000004E  }
0xcb: {  	_ =	swait.ge [sflag:s29], $0x1  }
0xcc: {  	[sflag:s29] =	ssyncadd.s32 $0xFFFFFFFF  }
0xcd: {  	_ =	strace $0x9000004E  }
0xce: {  	_ =	sfence  }
0xcf: {  	s30 =	sld [smem:$0x0];
	_ =	sdelay $0x2  }
0xd0: {  	s31 =	sshll.u32 s1, $0xD;
	s1 =	sshrl.u32 s1, $0x2  }
0xd1: {  	s4 =	sand.u32 $0x4000, s31;
	s1 =	sadd.s32 s1, s30  }
0xd2: {  	s0 =	sor.u32 s4, s0;
	s1 =	sshll.u32 s1, $0x11  }
0xd3: {  	s0 =	sor.u32 s1, s0  }
0xd4: {  	s0 =	sadd.s32 $0x8F2B, s0  }
0xd5: {  	[sflag:s0] =	ssyncadd.remote.s32 $0x1  }
0xd6: {  	_ =	sfence.sel $0xFFFF  }
0xd7: {  	[dreg:$0x0] =	wrdreg $0xFFFFFFFF;
	(pc) =	sbr.abs _section_cstart, $3  }
0xd8: {  	[dreg:$0x1] =	wrdreg $0xFFFFFFFF  }
0xd9: {  	_ =	task.clear_ibuf [dreg:s22], $0x2FFFF;
	_ =	strace $0x9FFFFFFF  }
0xda: {  	(tm) =	ssettm $0x7FFFFFFF  }
0xdb: {  	_ =	shalt  }
tec
execute0_lowered:
.L_overlay_start_1:
0x0: {  	(tag) =	ssettag $0x1  }
0x1: {  	s0 =	rddreg [dreg:$0x0]  }
0x2: {  	s1 =	rddreg [dreg:$0x1]  }
0x3: {  	s6 =	rddreg [dreg:$0x2]  }
0x4: {  	s7 =	rddreg [dreg:$0x3]  }
0x5: {  	s3 =	rddreg [dreg:$0x4];
	s25 =	stileid.u32  }
0x6: {  	s2 =	srdreg.scid;
	s5 =	smul.u32 $0x4E20, s25  }
0x7: {  	s4 =	simm.s32 $0x0;
	s8 =	sand.u32 $0x1, s2;
	s13 =	smul.u32 $0x280, s25  }
0x8: {  	[smem:$0x7FF] =	sst s4;
	s12 =	sadd.s32 $0xA4200, s6;
	s19 =	smul.u32 $0x2800, s25  }
0x9: {  	s6 =	sadd.s32 $0x3600, s6;
	s2 =	ssub.s32 $0x2, s8;
	s10 =	smul.u32 $0x4E200, s8  }
0xa: {  	s11 =	sxor.u32 $0x1, s8;
	p0 =	seq.s32 s8, $0x1;
	s9 =	sshrl.u32 s2, $0x1  }
0xb: {  	s11 =	smul.u32 $0x4E200, s11;
	s14 =	sadd.s32 $0x50, s5;
	s8 =	sor.u32 $0x50, s13  }
0xc: {  	s15 =	sadd.s32 $0xF0, s13;
	s16 =	sadd.s32 $0x140, s13;
	s17 =	sadd.s32 $0x190, s13  }
0xd: {  	s18 =	sadd.s32 $0x1E0, s13;
	s7 =	smov.u32 @p0 s12;
	s9 =	ssub.s32 s2, s9  }
0xe: {  	s2 =	sadd.s32 s5, s10;
	s10 =	sadd.s32 s10, s14;
	s20 =	sshll.u32 s8, $0x4  }
0xf: {  	s22 =	sshll.u32 s15, $0x4;
	s23 =	sshll.u32 s16, $0x4;
	s24 =	sshll.u32 s17, $0x4  }
0x10: {  	s12 =	sshll.u32 s18, $0x4;
	s19 =	sadd.s32 s7, s19;
	s5 =	sadd.s32 s5, s11  }
0x11: {  	s11 =	sadd.s32 s14, s11;
	[dreg:$0x6] =	wrdreg s19;
	s26 =	sadd.s32 s7, s20  }
0x12: {  	s14 =	sadd.s32 $0xA0, s13;
	s31 =	sadd.s32 s7, s22;
	[dreg:$0x7] =	wrdreg s26  }
0x13: {  	s13 =	sadd.s32 $0x230, s13;
	s20 =	sadd.s32 s7, s23;
	[dreg:$0x9] =	wrdreg s31  }
0x14: {  	s12 =	sadd.s32 s7, s12;
	s23 =	sshrl.u32 s2, $0x3;
	[dreg:$0xa] =	wrdreg s20  }
0x15: {  	s21 =	sshll.u32 s14, $0x4;
	[dreg:$0xc] =	wrdreg s12;
	s22 =	sshll.u32 s13, $0x4  }
0x16: {  	s26 =	sshrl.u32 s10, $0x3;
	s31 =	smul.u32 $0x50000, s25;
	s11 =	sshrl.u32 s11, $0x3  }
0x17: {  	s12 =	smax.u32 s9, $0x1;
	s20 =	sshll.u32 s8, $0x7;
	s25 =	sshll.u32 s18, $0x7  }
0x18: {  	s9 =	simm.s32 $0x19180;
	s10 =	simm.s32 $0x19080;
	s28 =	sadd.s32 s7, s21  }
0x19: {  	s21 =	sadd.s32 s7, s24;
	s7 =	sadd.s32 s7, s22;
	s24 =	sadd.s32 s0, s23  }
0x1a: {  	s20 =	sadd.s32 s20, s3;
	s22 =	sshll.u32 s15, $0x7;
	[dreg:$0x8] =	wrdreg s28  }
0x1b: {  	s23 =	sshll.u32 s16, $0x7;
	s25 =	sadd.s32 s25, s3;
	[dreg:$0xb] =	wrdreg s21  }
0x1c: {  	s15 =	simm.s32 $0x16800;
	s16 =	simm.s32 $0x4;
	[dreg:$0xd] =	wrdreg s7  }
0x1d: {  	s28 =	sshrl.u32 s5, $0x3;
	s19 =	sshrl.u32 s31, $0x2;
	s21 =	sshll.u32 s14, $0x7  }
0x1e: {  	s22 =	sadd.s32 s22, s3;
	s23 =	sadd.s32 s23, s3;
	s31 =	sshll.u32 s13, $0x7  }
0x1f: {  	s13 =	simm.s32 $0x3;
	_ =	strace $0x8000004D;
	[dreg:$0xe] =	wrdreg s6  }
0x20: {  	s14 =	simm.s32 $0x2;
	[dreg:$0xf] =	wrdreg s24;
	s7 =	sadd.s32 s0, s28  }
0x21: {  	s6 =	sadd.s32 s0, s26;
	[dreg:$0x13] =	wrdreg s12;
	s19 =	sadd.s32 s19, s3  }
0x22: {  	s21 =	sadd.s32 s21, s3;
	s24 =	sshll.u32 s17, $0x7;
	s26 =	sadd.s32 $0xF0, s5  }
0x23: {  	s28 =	sadd.s32 $0xF0, s2;
	s8 =	sadd.s32 s31, s3;
	[dreg:$0x14] =	wrdreg s25  }
0x24: {  	s5 =	sadd.s32 $0xA0, s5;
	s2 =	sadd.s32 $0xA0, s2;
	[dreg:$0x10] =	wrdreg s7  }
0x25: {  	s12 =	simm.s32 $0x50;
	s17 =	simm.s32 $0x0;
	[dreg:$0x11] =	wrdreg s6  }
0x26: {  	s6 =	sadd.s32 s0, s11;
	s24 =	sadd.s32 s24, s3;
	[dreg:$0x16] =	wrdreg s5  }
0x27: {  	s7 =	sshrl.u32 s28, $0x3;
	[dreg:$0x17] =	wrdreg s2;
	s2 =	simm.s32 $0x14000  }
0x28: {  	s5 =	simm.s32 $0x5;
	s11 =	simm.s32 $0x1;
	[dreg:$0x15] =	wrdreg s8  }
0x29: {  	[dreg:$0x12] =	wrdreg s6;
	s6 =	sshrl.u32 s26, $0x3;
	s30 =	sadd.s32 s7, s0  }
0x2a: {  	s7 =	simm.s32 $0x19000;
	s29 =	sadd.s32 s6, s0;
	s6 =	simm.s32 $0x19100  }
.LBB2_1:
0x2b: {  	s18 =	rddreg [dreg:$0xe]  }
0x2c: {  	[tilespmem:s2], [sflag:$0x5] =	stream.linear.gather [hbm4b:s18+s4], $0x2800, $0x38;
	[tilespmem:$0x19200] =	vst v63  }
0x2d: {  	_ =	swait.ge [sflag:s5], $0x2800  }
0x2e: {  	[sflag:s5] =	ssyncset.done $0x0  }
0x2f: {  	[sflag:s5] =	ssyncadd.s32 $0xFFFFD800  }
0x30: {  	[spmem:s19] =	stream.linear.scatter [tilespmem:s2], [sflag:$0x5], $0x2800, $0x38;
	[tilespmem:$0x19200] =	vst v63  }
0x31: {  	_ =	swait.ge [sflag:s5], $0x2800  }
0x32: {  	[sflag:s5] =	ssyncset.done $0x0  }
0x33: {  	[sflag:s5] =	ssyncadd.s32 $0xFFFFD800  }
0x34: {  	[spmem:s20] =	stream.linear.scatter [tilespmem:s2], [sflag:$0x5], $0x2800, $0x38;
	[tilespmem:$0x19200] =	vst v63  }
0x35: {  	_ =	swait.ge [sflag:s5], $0x2800  }
0x36: {  	[sflag:s5] =	ssyncset.done $0x0  }
0x37: {  	[sflag:s5] =	ssyncadd.s32 $0xFFFFD800  }
0x38: {  	[spmem:s21] =	stream.linear.scatter [tilespmem:s2], [sflag:$0x5], $0x2800, $0x38;
	[tilespmem:$0x19200] =	vst v63  }
0x39: {  	_ =	swait.ge [sflag:s5], $0x2800  }
0x3a: {  	[sflag:s5] =	ssyncset.done $0x0  }
0x3b: {  	[sflag:s5] =	ssyncadd.s32 $0xFFFFD800  }
0x3c: {  	[spmem:s22] =	stream.linear.scatter [tilespmem:s2], [sflag:$0x5], $0x2800, $0x38;
	[tilespmem:$0x19200] =	vst v63  }
0x3d: {  	_ =	swait.ge [sflag:s5], $0x2800  }
0x3e: {  	[sflag:s5] =	ssyncset.done $0x0  }
0x3f: {  	[sflag:s5] =	ssyncadd.s32 $0xFFFFD800  }
0x40: {  	[spmem:s23] =	stream.linear.scatter [tilespmem:s2], [sflag:$0x5], $0x2800, $0x38;
	[tilespmem:$0x19200] =	vst v63  }
0x41: {  	_ =	swait.ge [sflag:s5], $0x2800  }
0x42: {  	[sflag:s5] =	ssyncset.done $0x0  }
0x43: {  	s18 =	smov.u32 s24;
	[sflag:s5] =	ssyncadd.s32 $0xFFFFD800  }
0x44: {  	[spmem:s18] =	stream.linear.scatter [tilespmem:s2], [sflag:$0x5], $0x2800, $0x38;
	[tilespmem:$0x19200] =	vst v63  }
0x45: {  	_ =	swait.ge [sflag:s5], $0x2800  }
0x46: {  	[sflag:s5] =	ssyncset.done $0x0  }
0x47: {  	s24 =	smov.u32 s19;
	s19 =	smov.u32 s25;
	[sflag:s5] =	ssyncadd.s32 $0xFFFFD800  }
0x48: {  	[spmem:s19] =	stream.linear.scatter [tilespmem:s2], [sflag:$0x5], $0x2800, $0x38;
	[tilespmem:$0x19200] =	vst v63  }
0x49: {  	_ =	swait.ge [sflag:s5], $0x2800  }
0x4a: {  	[sflag:s5] =	ssyncset.done $0x0  }
0x4b: {  	s28 =	smov.u32 s22;
	s22 =	smov.u32 s8;
	[sflag:s5] =	ssyncadd.s32 $0xFFFFD800  }
0x4c: {  	[spmem:s22] =	stream.linear.scatter [tilespmem:s2], [sflag:$0x5], $0x2800, $0x38;
	[tilespmem:$0x19200] =	vst v63  }
0x4d: {  	_ =	swait.ge [sflag:s5], $0x2800  }
0x4e: {  	[sflag:s5] =	ssyncset.done $0x0  }
0x4f: {  	[sflag:s5] =	ssyncadd.s32 $0xFFFFD800  }
0x50: {  	[bflag:$0x0] =	sbarrier.arrive $0xFFFF  }
0x51: {  	s31 =	smov.u32 s23;
	s23 =	rddreg [dreg:$0xf]  }
0x52: {  	[tilespmem:s6], [sflag:$0x1] =	stream.linear.gather [hbm4b:s23+s4], $0x50, $0x38;
	[tilespmem:$0x19200] =	vst v63  }
0x53: {  	s19 =	rddreg [dreg:$0x10]  }
0x54: {  	[tilespmem:s7], [sflag:$0x1] =	stream.linear.gather [hbm4b:s19+s4], $0x50, $0x38;
	[tilespmem:$0x19200] =	vst v63  }
0x55: {  	s25 =	smov.u32 s20;
	s20 =	rddreg [dreg:$0x11]  }
0x56: {  	[tilespmem:s9], [sflag:$0x2] =	stream.linear.gather [hbm4b:s20+s4], $0x50, $0x38;
	[tilespmem:$0x19200] =	vst v63  }
0x57: {  	s26 =	smov.u32 s21;
	s21 =	rddreg [dreg:$0x12]  }
0x58: {  	[tilespmem:s10], [sflag:$0x2] =	stream.linear.gather [hbm4b:s21+s4], $0x50, $0x38;
	[tilespmem:$0x19200] =	vst v63  }
0x59: {  	_ =	swait.ge [sflag:s11], $0x50  }
0x5a: {  	[sflag:s11] =	ssyncset.done $0x0  }
0x5b: {  	[sflag:s11] =	ssyncadd.s32 $0xFFFFFFB0  }
0x5c: {  	_ =	swait.ge [sflag:s11], $0x50  }
0x5d: {  	[sflag:s11] =	ssyncset.done $0x0  }
0x5e: {  	[sflag:s11] =	ssyncadd.s32 $0xFFFFFFB0  }
0x5f: {  	[tilespmem:s2], [sflag:$0x3] =	stream.indirect.gather [hbm4b:s1+s12], $0x80, s6, s12, $0xb8;
	[tilespmem:$0x19200] =	vst v63  }
0x60: {  	_ =	swait.ge [sflag:s13], $0x2800  }
0x61: {  	[sflag:s13] =	ssyncset.done $0x0  }
0x62: {  	[sflag:s13] =	ssyncadd.s32 $0xFFFFD800  }
0x63: {  	[spmem:s3] =	stream.indirect.scatter.add.f32 [tilespmem:s2], [sflag:$0x5], $0x80, s7, s12, $0xb8;
	[tilespmem:$0x19200] =	vst v63  }
0x64: {  	_ =	swait.ge [sflag:s5], $0x2800  }
0x65: {  	s8 =	smov.u32 s18;
	s21 =	rddreg [dreg:$0x17]  }
0x66: {  	[sflag:s5] =	ssyncset.done $0x0;
	s20 =	rddreg [dreg:$0x16];
	s22 =	sshrl.u32 s21, $0x3  }
0x67: {  	[sflag:s5] =	ssyncadd.s32 $0xFFFFD800;
	s23 =	sshrl.u32 s20, $0x3;
	s18 =	sadd.s32 s0, s22  }
0x68: {  	[tilespmem:s6], [sflag:$0x1] =	stream.linear.gather [hbm4b:s18+s4], $0x50, $0x38;
	[tilespmem:$0x19200] =	vst v63  }
0x69: {  	s19 =	sadd.s32 s0, s23  }
0x6a: {  	[tilespmem:s7], [sflag:$0x1] =	stream.linear.gather [hbm4b:s19+s4], $0x50, $0x38;
	[tilespmem:$0x19200] =	vst v63  }
0x6b: {  	_ =	swait.ge [sflag:s14], $0x50  }
0x6c: {  	[sflag:s14] =	ssyncset.done $0x0  }
0x6d: {  	[sflag:s14] =	ssyncadd.s32 $0xFFFFFFB0  }
0x6e: {  	_ =	swait.ge [sflag:s14], $0x50  }
0x6f: {  	[sflag:s14] =	ssyncset.done $0x0  }
0x70: {  	[sflag:s14] =	ssyncadd.s32 $0xFFFFFFB0  }
0x71: {  	[tilespmem:s15], [sflag:$0x4] =	stream.indirect.gather [hbm4b:s1+s12], $0x80, s9, s12, $0xb8;
	[tilespmem:$0x19200] =	vst v63  }
0x72: {  	_ =	swait.ge [sflag:s16], $0x2800  }
0x73: {  	[sflag:s16] =	ssyncset.done $0x0  }
0x74: {  	[sflag:s16] =	ssyncadd.s32 $0xFFFFD800  }
0x75: {  	[spmem:s3] =	stream.indirect.scatter.add.f32 [tilespmem:s15], [sflag:$0x5], $0x80, s10, s12, $0xb8;
	[tilespmem:$0x19200] =	vst v63  }
0x76: {  	_ =	swait.ge [sflag:s5], $0x2800  }
0x77: {  	[sflag:s5] =	ssyncset.done $0x0  }
0x78: {  	s22 =	sadd.s32 $0x0, s30;
	[sflag:s5] =	ssyncadd.s32 $0xFFFFD800  }
0x79: {  	[tilespmem:s9], [sflag:$0x2] =	stream.linear.gather [hbm4b:s22+s4], $0x50, $0x38;
	[tilespmem:$0x19200] =	vst v63  }
0x7a: {  	s23 =	sadd.s32 $0x0, s29  }
0x7b: {  	[tilespmem:s10], [sflag:$0x2] =	stream.linear.gather [hbm4b:s23+s4], $0x50, $0x38;
	[tilespmem:$0x19200] =	vst v63  }
0x7c: {  	_ =	swait.ge [sflag:s11], $0x50  }
0x7d: {  	[sflag:s11] =	ssyncset.done $0x0  }
0x7e: {  	[sflag:s11] =	ssyncadd.s32 $0xFFFFFFB0  }
0x7f: {  	_ =	swait.ge [sflag:s11], $0x50  }
0x80: {  	s18 =	simm.s32 $0x14;
	[sflag:s11] =	ssyncset.done $0x0  }
0x81: {  	s19 =	sadd.s32 $0xA0, s20;
	s20 =	sadd.s32 $0xA0, s21;
	[sflag:s11] =	ssyncadd.s32 $0xFFFFFFB0  }
.LBB2_2:
0x82: {  	[tilespmem:s2], [sflag:$0x3] =	stream.indirect.gather [hbm4b:s1+s12], $0x80, s6, s12, $0xb8;
	[tilespmem:$0x19200] =	vst v63  }
0x83: {  	s21 =	smov.u32 s18  }
0x84: {  	p0 =	sne.s32 s18, $0x99C;
	s18 =	sadd.s32 $0x14, s18;
	_ =	swait.ge [sflag:s13], $0x2800  }
0x85: {  	[sflag:s13] =	ssyncset.done $0x0  }
0x86: {  	[sflag:s13] =	ssyncadd.s32 $0xFFFFD800  }
0x87: {  	[spmem:s3] =	stream.indirect.scatter.add.f32 [tilespmem:s2], [sflag:$0x5], $0x80, s7, s12, $0xb8;
	[tilespmem:$0x19200] =	vst v63  }
0x88: {  	_ =	swait.ge [sflag:s5], $0x2800  }
0x89: {  	s22 =	sshrl.u32 s20, $0x3;
	[sflag:s5] =	ssyncset.done $0x0  }
0x8a: {  	s23 =	sshrl.u32 s19, $0x3;
	s22 =	sadd.s32 s0, s22;
	[sflag:s5] =	ssyncadd.s32 $0xFFFFD800  }
0x8b: {  	[tilespmem:s6], [sflag:$0x1] =	stream.linear.gather [hbm4b:s22+s4], $0x50, $0x38;
	[tilespmem:$0x19200] =	vst v63  }
0x8c: {  	s22 =	sadd.s32 s0, s23  }
0x8d: {  	[tilespmem:s7], [sflag:$0x1] =	stream.linear.gather [hbm4b:s22+s4], $0x50, $0x38;
	[tilespmem:$0x19200] =	vst v63  }
0x8e: {  	_ =	swait.ge [sflag:s14], $0x50  }
0x8f: {  	[sflag:s14] =	ssyncset.done $0x0  }
0x90: {  	[sflag:s14] =	ssyncadd.s32 $0xFFFFFFB0  }
0x91: {  	_ =	swait.ge [sflag:s14], $0x50  }
0x92: {  	[sflag:s14] =	ssyncset.done $0x0  }
0x93: {  	[sflag:s14] =	ssyncadd.s32 $0xFFFFFFB0  }
0x94: {  	[tilespmem:s15], [sflag:$0x4] =	stream.indirect.gather [hbm4b:s1+s12], $0x80, s9, s12, $0xb8;
	[tilespmem:$0x19200] =	vst v63  }
0x95: {  	_ =	swait.ge [sflag:s16], $0x2800  }
0x96: {  	[sflag:s16] =	ssyncset.done $0x0  }
0x97: {  	[sflag:s16] =	ssyncadd.s32 $0xFFFFD800  }
0x98: {  	[spmem:s3] =	stream.indirect.scatter.add.f32 [tilespmem:s15], [sflag:$0x5], $0x80, s10, s12, $0xb8;
	[tilespmem:$0x19200] =	vst v63  }
0x99: {  	_ =	swait.ge [sflag:s5], $0x2800  }
0x9a: {  	[sflag:s5] =	ssyncset.done $0x0  }
0x9b: {  	s22 =	sadd.s32 s21, s30;
	[sflag:s5] =	ssyncadd.s32 $0xFFFFD800  }
0x9c: {  	[tilespmem:s9], [sflag:$0x2] =	stream.linear.gather [hbm4b:s22+s4], $0x50, $0x38;
	[tilespmem:$0x19200] =	vst v63  }
0x9d: {  	s21 =	sadd.s32 s21, s29  }
0x9e: {  	[tilespmem:s10], [sflag:$0x2] =	stream.linear.gather [hbm4b:s21+s4], $0x50, $0x38;
	[tilespmem:$0x19200] =	vst v63  }
0x9f: {  	_ =	swait.ge [sflag:s11], $0x50  }
.Ltmp0:
0xa0: {  	[sflag:s11] =	ssyncset.done $0x0;
	(pc) =	sbr.rel @p0 .LBB2_2-.Ltmp0, $4  }
0xa1: {  	[sflag:s11] =	ssyncadd.s32 $0xFFFFFFB0  }
0xa2: {  	_ =	swait.ge [sflag:s11], $0x50  }
0xa3: {  	[sflag:s11] =	ssyncset.done $0x0  }
0xa4: {  	s19 =	sadd.s32 $0xA0, s19;
	s20 =	sadd.s32 $0xA0, s20;
	[sflag:s11] =	ssyncadd.s32 $0xFFFFFFB0  }
0xa5: {  	[tilespmem:s2], [sflag:$0x3] =	stream.indirect.gather [hbm4b:s1+s12], $0x80, s6, s12, $0xb8;
	[tilespmem:$0x19200] =	vst v63  }
0xa6: {  	_ =	swait.ge [sflag:s13], $0x2800  }
0xa7: {  	[sflag:s13] =	ssyncset.done $0x0  }
0xa8: {  	[sflag:s13] =	ssyncadd.s32 $0xFFFFD800  }
0xa9: {  	[spmem:s3] =	stream.indirect.scatter.add.f32 [tilespmem:s2], [sflag:$0x5], $0x80, s7, s12, $0xb8;
	[tilespmem:$0x19200] =	vst v63  }
0xaa: {  	_ =	swait.ge [sflag:s5], $0x2800  }
0xab: {  	[sflag:s5] =	ssyncset.done $0x0  }
0xac: {  	[sflag:s5] =	ssyncadd.s32 $0xFFFFD800  }
0xad: {  	_ =	swait.ge [sflag:s14], $0x50  }
0xae: {  	[sflag:s14] =	ssyncset.done $0x0  }
0xaf: {  	[sflag:s14] =	ssyncadd.s32 $0xFFFFFFB0  }
0xb0: {  	_ =	swait.ge [sflag:s14], $0x50  }
0xb1: {  	[sflag:s14] =	ssyncset.done $0x0  }
0xb2: {  	[sflag:s14] =	ssyncadd.s32 $0xFFFFFFB0  }
0xb3: {  	[tilespmem:s15], [sflag:$0x4] =	stream.indirect.gather [hbm4b:s1+s12], $0x80, s9, s12, $0xb8;
	[tilespmem:$0x19200] =	vst v63  }
0xb4: {  	_ =	swait.ge [sflag:s16], $0x2800  }
0xb5: {  	[sflag:s16] =	ssyncset.done $0x0  }
0xb6: {  	[sflag:s16] =	ssyncadd.s32 $0xFFFFD800  }
0xb7: {  	[spmem:s3] =	stream.indirect.scatter.add.f32 [tilespmem:s15], [sflag:$0x5], $0x80, s10, s12, $0xb8;
	[tilespmem:$0x19200] =	vst v63  }
0xb8: {  	_ =	swait.ge [sflag:s5], $0x2800  }
0xb9: {  	[sflag:s5] =	ssyncset.done $0x0  }
0xba: {  	[sflag:s5] =	ssyncadd.s32 $0xFFFFD800  }
0xbb: {  	[bflag:$0x0] =	sbarrier.arrive $0xFFFF  }
0xbc: {  	[tilespmem:s2], [sflag:$0x5] =	stream.linear.gather [spmem:s24], $0x2800, $0x38;
	[tilespmem:$0x19200] =	vst v63  }
0xbd: {  	_ =	swait.ge [sflag:s5], $0x2800  }
0xbe: {  	[sflag:s5] =	ssyncset.done $0x0  }
0xbf: {  	s18 =	rddreg [dreg:$0x6];
	[sflag:s5] =	ssyncadd.s32 $0xFFFFD800  }
0xc0: {  	[hbm4b:s18+s4] =	stream.linear.scatter [tilespmem:s2], [sflag:$0x5], $0x2800, $0x38;
	[tilespmem:$0x19200] =	vst v63  }
0xc1: {  	_ =	swait.ge [sflag:s5], $0x2800  }
0xc2: {  	[sflag:s5] =	ssyncset.done $0x0  }
0xc3: {  	[sflag:s5] =	ssyncadd.s32 $0xFFFFD800  }
0xc4: {  	[tilespmem:s2], [sflag:$0x5] =	stream.linear.gather [spmem:s25], $0x2800, $0x38;
	[tilespmem:$0x19200] =	vst v63  }
0xc5: {  	_ =	swait.ge [sflag:s5], $0x2800  }
0xc6: {  	[sflag:s5] =	ssyncset.done $0x0  }
0xc7: {  	s21 =	rddreg [dreg:$0x7];
	[sflag:s5] =	ssyncadd.s32 $0xFFFFD800  }
0xc8: {  	[hbm4b:s21+s4] =	stream.linear.scatter [tilespmem:s2], [sflag:$0x5], $0x2800, $0x38;
	[tilespmem:$0x19200] =	vst v63  }
0xc9: {  	_ =	swait.ge [sflag:s5], $0x2800  }
0xca: {  	[sflag:s5] =	ssyncset.done $0x0  }
0xcb: {  	[sflag:s5] =	ssyncadd.s32 $0xFFFFD800  }
0xcc: {  	[tilespmem:s2], [sflag:$0x5] =	stream.linear.gather [spmem:s26], $0x2800, $0x38;
	[tilespmem:$0x19200] =	vst v63  }
0xcd: {  	_ =	swait.ge [sflag:s5], $0x2800  }
0xce: {  	[sflag:s5] =	ssyncset.done $0x0  }
0xcf: {  	s22 =	rddreg [dreg:$0x8];
	[sflag:s5] =	ssyncadd.s32 $0xFFFFD800  }
0xd0: {  	[hbm4b:s22+s4] =	stream.linear.scatter [tilespmem:s2], [sflag:$0x5], $0x2800, $0x38;
	[tilespmem:$0x19200] =	vst v63  }
0xd1: {  	_ =	swait.ge [sflag:s5], $0x2800  }
0xd2: {  	[sflag:s5] =	ssyncset.done $0x0  }
0xd3: {  	[sflag:s5] =	ssyncadd.s32 $0xFFFFD800  }
0xd4: {  	[tilespmem:s2], [sflag:$0x5] =	stream.linear.gather [spmem:s28], $0x2800, $0x38;
	[tilespmem:$0x19200] =	vst v63  }
0xd5: {  	_ =	swait.ge [sflag:s5], $0x2800  }
0xd6: {  	[sflag:s5] =	ssyncset.done $0x0  }
0xd7: {  	s23 =	rddreg [dreg:$0x9];
	[sflag:s5] =	ssyncadd.s32 $0xFFFFD800  }
0xd8: {  	[hbm4b:s23+s4] =	stream.linear.scatter [tilespmem:s2], [sflag:$0x5], $0x2800, $0x38;
	[tilespmem:$0x19200] =	vst v63  }
0xd9: {  	_ =	swait.ge [sflag:s5], $0x2800  }
0xda: {  	[sflag:s5] =	ssyncset.done $0x0  }
0xdb: {  	[sflag:s5] =	ssyncadd.s32 $0xFFFFD800  }
0xdc: {  	[tilespmem:s2], [sflag:$0x5] =	stream.linear.gather [spmem:s31], $0x2800, $0x38;
	[tilespmem:$0x19200] =	vst v63  }
0xdd: {  	_ =	swait.ge [sflag:s5], $0x2800  }
0xde: {  	[sflag:s5] =	ssyncset.done $0x0  }
0xdf: {  	s19 =	smov.u32 s24;
	s24 =	rddreg [dreg:$0xa];
	[sflag:s5] =	ssyncadd.s32 $0xFFFFD800  }
0xe0: {  	[hbm4b:s24+s4] =	stream.linear.scatter [tilespmem:s2], [sflag:$0x5], $0x2800, $0x38;
	[tilespmem:$0x19200] =	vst v63  }
0xe1: {  	_ =	swait.ge [sflag:s5], $0x2800  }
0xe2: {  	[sflag:s5] =	ssyncset.done $0x0  }
0xe3: {  	[sflag:s5] =	ssyncadd.s32 $0xFFFFD800  }
0xe4: {  	[tilespmem:s2], [sflag:$0x5] =	stream.linear.gather [spmem:s8], $0x2800, $0x38;
	[tilespmem:$0x19200] =	vst v63  }
0xe5: {  	_ =	swait.ge [sflag:s5], $0x2800  }
0xe6: {  	[sflag:s5] =	ssyncset.done $0x0  }
0xe7: {  	s20 =	smov.u32 s25;
	s25 =	rddreg [dreg:$0xb];
	[sflag:s5] =	ssyncadd.s32 $0xFFFFD800  }
0xe8: {  	[hbm4b:s25+s4] =	stream.linear.scatter [tilespmem:s2], [sflag:$0x5], $0x2800, $0x38;
	[tilespmem:$0x19200] =	vst v63  }
0xe9: {  	_ =	swait.ge [sflag:s5], $0x2800  }
0xea: {  	[sflag:s5] =	ssyncset.done $0x0  }
0xeb: {  	s25 =	rddreg [dreg:$0x14];
	[sflag:s5] =	ssyncadd.s32 $0xFFFFD800  }
0xec: {  	[tilespmem:s2], [sflag:$0x5] =	stream.linear.gather [spmem:s25], $0x2800, $0x38;
	[tilespmem:$0x19200] =	vst v63  }
0xed: {  	_ =	swait.ge [sflag:s5], $0x2800  }
0xee: {  	[sflag:s5] =	ssyncset.done $0x0  }
0xef: {  	s21 =	smov.u32 s26;
	s26 =	rddreg [dreg:$0xc];
	[sflag:s5] =	ssyncadd.s32 $0xFFFFD800  }
0xf0: {  	[hbm4b:s26+s4] =	stream.linear.scatter [tilespmem:s2], [sflag:$0x5], $0x2800, $0x38;
	[tilespmem:$0x19200] =	vst v63  }
0xf1: {  	_ =	swait.ge [sflag:s5], $0x2800  }
0xf2: {  	[sflag:s5] =	ssyncset.done $0x0  }
0xf3: {  	s24 =	smov.u32 s8;
	s8 =	rddreg [dreg:$0x15];
	[sflag:s5] =	ssyncadd.s32 $0xFFFFD800  }
0xf4: {  	[tilespmem:s2], [sflag:$0x5] =	stream.linear.gather [spmem:s8], $0x2800, $0x38;
	[tilespmem:$0x19200] =	vst v63  }
0xf5: {  	_ =	swait.ge [sflag:s5], $0x2800  }
0xf6: {  	[sflag:s5] =	ssyncset.done $0x0  }
0xf7: {  	s22 =	smov.u32 s28;
	s28 =	rddreg [dreg:$0xd];
	[sflag:s5] =	ssyncadd.s32 $0xFFFFD800  }
0xf8: {  	[hbm4b:s28+s4] =	stream.linear.scatter [tilespmem:s2], [sflag:$0x5], $0x2800, $0x38;
	[tilespmem:$0x19200] =	vst v63  }
0xf9: {  	_ =	swait.ge [sflag:s5], $0x2800  }
0xfa: {  	s17 =	sadd.s32 $0x1, s17;
	s23 =	smov.u32 s31;
	s31 =	rddreg [dreg:$0x13]  }
0xfb: {  	p0 =	sne.s32 s17, s31  }
.Ltmp1:
0xfc: {  	_ = 	snop;
	(pc) =	sbr.rel @p0 .LBB2_1-.Ltmp1, $3  }
0xfd: {  	_ =	sdelay $0x1  }
0xfe: {  	[sflag:s5] =	ssyncset.done $0x0  }
0xff: {  	[sflag:s5] =	ssyncadd.s32 $0xFFFFD800  }
0x100: {  	_ =	sfence.sel $0x180000  }
0x101: {  	[bflag:$0x0] =	sbarrier.arrive $0xFFFF  }
0x102: {  	_ =	strace $0x9000004D  }
0x103: {  	s0 =	stileid.u32;
	[bflag:$0x2] =	sbarrier.arrive $0xFFFF  }
0x104: {  	p0 =	sne.s32 s0, $0x0;
	s0 =	rddreg [dreg:$0x5]  }
0x105: {  	s0 =	sadd.s32 @!p0 $0x100000, s0  }
0x106: {  	[sflag:s0] =	ssyncadd.tile.s32 @!p0 $0x1;
	_ =	shalt  }
.Lfunc_end2:
_tile_overlayer_lowered:
.L_overlay_start_2:
0x107: {  	(tag) =	ssettag $0x2  }
0x108: {  	s0 =	rddreg [dreg:$0x0];
	s2 =	stileid.u32  }
0x109: {  	s1 =	rddreg [dreg:$0x1];
	p0 =	sne.s32 s2, $0x0  }
0x10a: {  	s3 =	rddreg [dreg:$0x2];
	[bflag:$0x3] =	sbarrier.arrive $0xFFFF;
	s2 =	simm.s32 @!p0 $0x1C05  }
0x10b: {  	[timem:s3], [sflag:s2] =	dma.local @!p0 [hbm:s0], s1  }
0x10c: {  	s0 =	simm.s32 @!p0 $0x5  }
0x10d: {  	_ =	swait.ge @!p0 [sflag:s0], s1  }
0x10e: {  	s1 =	ssub.s32 @!p0 $0x0, s1;
	[sflag:s0] =	ssyncset.done @!p0 $0x0  }
0x10f: {  	[sflag:s0] =	ssyncadd.s32 @!p0 s1  }
0x110: {  	[bflag:$0x3] =	sbarrier.arrive $0xFFFF  }
0x111: {  	_ =	shalt  }

</sc_bundles>
